<compile_context>
chip_gen: v7x
topology: tpu7x:2x2x1
jax: 0.10.2.dev20260603
libtpu: 0.0.44.dev20260713+nightly
codegen_flags: <defaults>
</compile_context>

<pallas_src>
import jax
import jax.numpy as jnp
from jax import lax
from jax.experimental import pallas as pl
from jax.experimental.pallas import tpu as pltpu
from jax.experimental.pallas import tpu_sc as plsc

ROWS = 131072
COLS = 14
NC = 2
NS = 16
L = 16
NW = NC * NS
TEC_BATCH = ROWS // NW
CHUNK = 2048
NCHUNK = TEC_BATCH // CHUNK
CGROUPS = CHUNK // L


def _tree_softmax_body(x_hbm, out_hbm, xin0, xin1, xout0, xout1,
                       sin0, sin1, sout0, sout1):
    wid = lax.axis_index("s") * NC + lax.axis_index("c")
    b0 = wid * TEC_BATCH

    xins, xouts = (xin0, xin1), (xout0, xout1)
    sins, souts = (sin0, sin1), (sout0, sout1)

    def src(k):
        return x_hbm.at[:, pl.ds(b0 + k * CHUNK, CHUNK)]

    def dst(k):
        return out_hbm.at[:, pl.ds(b0 + k * CHUNK, CHUNK)]

    cp_in = [None] * NCHUNK
    cp_out = [None] * NCHUNK
    cp_in[0] = pltpu.async_copy(src(0), xins[0], sins[0])
    for k in range(NCHUNK):
        if k + 1 < NCHUNK:
            cp_in[k + 1] = pltpu.async_copy(
                src(k + 1), xins[(k + 1) % 2], sins[(k + 1) % 2])
        cp_in[k].wait()
        if k >= 2:
            cp_out[k - 2].wait()
        xin = xins[k % 2]
        xout = xouts[k % 2]

        @plsc.parallel_loop(0, CGROUPS, step=1, unroll=4)
        def group(g):
            sl = pl.ds(g * L, L)
            c = [xin[j, sl] for j in range(COLS)]
            s = [None] * COLS
            for kk in range(COLS // 2):
                e = jnp.exp(c[2 * kk + 1] - c[2 * kk])
                sa = 1.0 / (1.0 + e)
                s[2 * kk] = sa
                s[2 * kk + 1] = 1.0 - sa
            o = [None] * COLS
            o[0], o[1] = s[0], s[1]
            for j in range(2, COLS):
                o[j] = s[j] * o[j // 2 - 1]
            for j in range(COLS):
                xout[j, sl] = o[j]

        cp_out[k] = pltpu.async_copy(xout, dst(k), souts[k % 2])
    cp_out[NCHUNK - 2].wait()
    cp_out[NCHUNK - 1].wait()


@jax.jit
def kernel(input):
    mesh = plsc.VectorSubcoreMesh(core_axis_name="c", subcore_axis_name="s")
    run = pl.kernel(
        _tree_softmax_body,
        out_type=jax.ShapeDtypeStruct((COLS, ROWS), jnp.float32),
        mesh=mesh,
        scratch_types=[
            pltpu.VMEM((COLS, CHUNK), jnp.float32),
            pltpu.VMEM((COLS, CHUNK), jnp.float32),
            pltpu.VMEM((COLS, CHUNK), jnp.float32),
            pltpu.VMEM((COLS, CHUNK), jnp.float32),
            pltpu.SemaphoreType.DMA,
            pltpu.SemaphoreType.DMA,
            pltpu.SemaphoreType.DMA,
            pltpu.SemaphoreType.DMA,
        ],
        compiler_params=pltpu.CompilerParams(
            needs_layout_passes=False,
            use_tc_tiling_on_sc=False,
            disable_bounds_checks=True,
            disable_semaphore_checks=True,
            skip_device_barrier=True,
        ),
    )
    return run(jnp.transpose(input)).T

# --- scband reference (transcript-rebuilt; emitter-appended) ---
"""Pipeline reference for scband-tree-softmax-1803886264584 (READ-ONLY COPY).

The authoritative reference and input builder live on the scoring server;
editing this copy changes nothing except your own understanding.
"""

import jax, jax.numpy as jnp
import numpy as np

N = 15
ADJ = np.zeros((N, N), dtype=np.int64)
for i in range(7):
    ADJ[i, 2 * i + 1] = 1
    ADJ[i, 2 * i + 2] = 1


def setup_inputs(seed: int = 0) -> dict:
    key = jax.random.key(seed)
    x = jax.random.normal(key, (131072, N - 1), dtype=jnp.float32)
    return {"input": x}


def reference(input):
    axis = 1
    result = [None] * (N - 1)
    # sibling-group softmaxes
    for row_idx in range(N):
        sibling_indices = np.where(ADJ[row_idx, :])[0] - 1
        if len(sibling_indices) > 0:
            g = jnp.take(input, jnp.asarray(sibling_indices), axis=axis)
            p_max = jnp.max(g, axis=axis, keepdims=True)
            g_exp = jnp.exp(g - p_max)
            p_sum = jnp.sum(g_exp, axis=axis, keepdims=True)
            p = g_exp / p_sum
            for tensor_idx, sibling_idx in enumerate(sibling_indices):
                result[sibling_idx] = jnp.take(p, jnp.asarray([tensor_idx]), axis=axis)
    # propagate probabilities down the tree (multiply by parent prob)
    nodes_to_process = list(np.where(ADJ[0, :])[0])
    while len(nodes_to_process) > 0:
        child_nodes = []
        for parent_idx in nodes_to_process:
            child_indices = np.where(ADJ[parent_idx, :])[0]
            child_nodes.extend(child_indices)
            for child_idx in child_indices:
                result[child_idx - 1] = result[child_idx - 1] * result[parent_idx - 1]
        nodes_to_process = child_nodes
    return jnp.concatenate([jnp.concatenate(result[i:i + 32], axis=axis) for i in range(0, len(result), 32)], axis=axis)

if __name__ == "__main__":
    import jax
    _d = setup_inputs()
    print(jax.jit(kernel)(*tuple(_d.values())))

</pallas_src>

<mosaic_0001>
#map = affine_map<(d0, d1) -> (0, 0)>
module attributes {stable_mosaic.version = 14 : i64} {
  func.func @_tree_softmax_body(%arg0: i32, %arg1: i32, %arg2: memref<14x131072xf32, #tpu.memory_space<hbm>>, %arg3: memref<14x131072xf32, #tpu.memory_space<hbm>>, %arg4: memref<14x2048xf32, #tpu.memory_space<vmem>>, %arg5: memref<14x2048xf32, #tpu.memory_space<vmem>>, %arg6: memref<14x2048xf32, #tpu.memory_space<vmem>>, %arg7: memref<14x2048xf32, #tpu.memory_space<vmem>>, %arg8: memref<!tpu.dma_semaphore, #tpu.memory_space<semaphore_mem>>, %arg9: memref<!tpu.dma_semaphore, #tpu.memory_space<semaphore_mem>>, %arg10: memref<!tpu.dma_semaphore, #tpu.memory_space<semaphore_mem>>, %arg11: memref<!tpu.dma_semaphore, #tpu.memory_space<semaphore_mem>>) attributes {dimension_semantics = [#tpu.dimension_semantics<core_parallel>, #tpu.dimension_semantics<subcore_parallel>], iteration_bounds = array<i64: 2, 16>, scalar_prefetch = 0 : i64, scratch_operands = 8 : i64, tpu.core_type = #tpu.core_type<sc_vector_subcore>, window_params = [{transform_indices = #map}, {transform_indices = #map}]} {
    %mul3A = arith.constant 2 : i32
    %mul3A_0 = arith.muli %arg1, %mul3A : i32
    %add3A = arith.addi %mul3A_0, %arg0 : i32
    %mul3A_1 = arith.constant 4096 : i32
    %mul3A_2 = arith.muli %add3A, %mul3A_1 : i32
    %add3A_3 = arith.constant 0 : i32
    %add3A_4 = arith.addi %mul3A_2, %add3A_3 : i32
    %dma_start3A = arith.constant 0 : i32
    %dma_start3A_5 = tpu.memref_slice %arg2[%dma_start3A, %add3A_4] : memref<14x131072xf32, #tpu.memory_space<hbm>> -> memref<14x2048xf32, #tpu.memory_space<hbm>>
    %dma_start3A_6 = arith.constant 0 : i32
    %dma_start3A_7 = tpu.memref_slice %arg2[%dma_start3A_6, %add3A_4] : memref<14x131072xf32, #tpu.memory_space<hbm>> -> memref<14x2048xf32, #tpu.memory_space<hbm>>
    tpu.enqueue_dma source(%dma_start3A_7 : memref<14x2048xf32, #tpu.memory_space<hbm>>) target(%arg4 : memref<14x2048xf32, #tpu.memory_space<vmem>>) target_semaphore(%arg8 : memref<!tpu.dma_semaphore, #tpu.memory_space<semaphore_mem>>)
    %add3A_8 = arith.constant 2048 : i32
    %add3A_9 = arith.addi %mul3A_2, %add3A_8 : i32
    %dma_start3A_10 = arith.constant 0 : i32
    %dma_start3A_11 = tpu.memref_slice %arg2[%dma_start3A_10, %add3A_9] : memref<14x131072xf32, #tpu.memory_space<hbm>> -> memref<14x2048xf32, #tpu.memory_space<hbm>>
    %dma_start3A_12 = arith.constant 0 : i32
    %dma_start3A_13 = tpu.memref_slice %arg2[%dma_start3A_12, %add3A_9] : memref<14x131072xf32, #tpu.memory_space<hbm>> -> memref<14x2048xf32, #tpu.memory_space<hbm>>
    tpu.enqueue_dma source(%dma_start3A_13 : memref<14x2048xf32, #tpu.memory_space<hbm>>) target(%arg5 : memref<14x2048xf32, #tpu.memory_space<vmem>>) target_semaphore(%arg9 : memref<!tpu.dma_semaphore, #tpu.memory_space<semaphore_mem>>)
    %dma_wait3A = arith.constant 0 : i32
    %dma_wait3A_14 = tpu.memref_slice %arg2[%dma_wait3A, %add3A_4] : memref<14x131072xf32, #tpu.memory_space<hbm>> -> memref<14x2048xf32, #tpu.memory_space<hbm>>
    %dma_wait3A_15 = arith.constant 0 : i32
    %dma_wait3A_16 = tpu.memref_slice %arg2[%dma_wait3A_15, %add3A_4] : memref<14x131072xf32, #tpu.memory_space<hbm>> -> memref<14x2048xf32, #tpu.memory_space<hbm>>
    tpu.wait_dma2 semaphore(%arg8 : memref<!tpu.dma_semaphore, #tpu.memory_space<semaphore_mem>>) src(%dma_wait3A_16 : memref<14x2048xf32, #tpu.memory_space<hbm>>) dst(%arg4 : memref<14x2048xf32, #tpu.memory_space<vmem>>)
    %parallel_loop3A = arith.constant 0 : i32
    %parallel_loop3A_17 = arith.constant 128 : i32
    %parallel_loop3A_18 = arith.constant 1 : i32
    scf.for %parallel_loop3A_46 = %parallel_loop3A to %parallel_loop3A_17 step %parallel_loop3A_18  : i32 {
      %parallel_loop3A_47 = arith.constant 16 : i32
      %parallel_loop3A_48 = arith.muli %parallel_loop3A_46, %parallel_loop3A_47 : i32
      %parallel_loop3A_49 = arith.constant 0 : i32
      %parallel_loop3A_50 = arith.index_cast %parallel_loop3A_49 : i32 to index
      %parallel_loop3A_51 = arith.index_cast %parallel_loop3A_48 : i32 to index
      %parallel_loop3A_52 = tpu.vector_load %arg4[%parallel_loop3A_50, %parallel_loop3A_51] {strides = array<i32>} : memref<14x2048xf32, #tpu.memory_space<vmem>>, vector<16xf32>,
      %parallel_loop3A_53 = arith.constant 1 : i32
      %parallel_loop3A_54 = arith.index_cast %parallel_loop3A_53 : i32 to index
      %parallel_loop3A_55 = arith.index_cast %parallel_loop3A_48 : i32 to index
      %parallel_loop3A_56 = tpu.vector_load %arg4[%parallel_loop3A_54, %parallel_loop3A_55] {strides = array<i32>} : memref<14x2048xf32, #tpu.memory_space<vmem>>, vector<16xf32>,
      %parallel_loop3A_57 = arith.constant 2 : i32
      %parallel_loop3A_58 = arith.index_cast %parallel_loop3A_57 : i32 to index
      %parallel_loop3A_59 = arith.index_cast %parallel_loop3A_48 : i32 to index
      %parallel_loop3A_60 = tpu.vector_load %arg4[%parallel_loop3A_58, %parallel_loop3A_59] {strides = array<i32>} : memref<14x2048xf32, #tpu.memory_space<vmem>>, vector<16xf32>,
      %parallel_loop3A_61 = arith.constant 3 : i32
      %parallel_loop3A_62 = arith.index_cast %parallel_loop3A_61 : i32 to index
      %parallel_loop3A_63 = arith.index_cast %parallel_loop3A_48 : i32 to index
      %parallel_loop3A_64 = tpu.vector_load %arg4[%parallel_loop3A_62, %parallel_loop3A_63] {strides = array<i32>} : memref<14x2048xf32, #tpu.memory_space<vmem>>, vector<16xf32>,
      %parallel_loop3A_65 = arith.constant 4 : i32
      %parallel_loop3A_66 = arith.index_cast %parallel_loop3A_65 : i32 to index
      %parallel_loop3A_67 = arith.index_cast %parallel_loop3A_48 : i32 to index
      %parallel_loop3A_68 = tpu.vector_load %arg4[%parallel_loop3A_66, %parallel_loop3A_67] {strides = array<i32>} : memref<14x2048xf32, #tpu.memory_space<vmem>>, vector<16xf32>,
      %parallel_loop3A_69 = arith.constant 5 : i32
      %parallel_loop3A_70 = arith.index_cast %parallel_loop3A_69 : i32 to index
      %parallel_loop3A_71 = arith.index_cast %parallel_loop3A_48 : i32 to index
      %parallel_loop3A_72 = tpu.vector_load %arg4[%parallel_loop3A_70, %parallel_loop3A_71] {strides = array<i32>} : memref<14x2048xf32, #tpu.memory_space<vmem>>, vector<16xf32>,
      %parallel_loop3A_73 = arith.constant 6 : i32
      %parallel_loop3A_74 = arith.index_cast %parallel_loop3A_73 : i32 to index
      %parallel_loop3A_75 = arith.index_cast %parallel_loop3A_48 : i32 to index
      %parallel_loop3A_76 = tpu.vector_load %arg4[%parallel_loop3A_74, %parallel_loop3A_75] {strides = array<i32>} : memref<14x2048xf32, #tpu.memory_space<vmem>>, vector<16xf32>,
      %parallel_loop3A_77 = arith.constant 7 : i32
      %parallel_loop3A_78 = arith.index_cast %parallel_loop3A_77 : i32 to index
      %parallel_loop3A_79 = arith.index_cast %parallel_loop3A_48 : i32 to index
      %parallel_loop3A_80 = tpu.vector_load %arg4[%parallel_loop3A_78, %parallel_loop3A_79] {strides = array<i32>} : memref<14x2048xf32, #tpu.memory_space<vmem>>, vector<16xf32>,
      %parallel_loop3A_81 = arith.constant 8 : i32
      %parallel_loop3A_82 = arith.index_cast %parallel_loop3A_81 : i32 to index
      %parallel_loop3A_83 = arith.index_cast %parallel_loop3A_48 : i32 to index
      %parallel_loop3A_84 = tpu.vector_load %arg4[%parallel_loop3A_82, %parallel_loop3A_83] {strides = array<i32>} : memref<14x2048xf32, #tpu.memory_space<vmem>>, vector<16xf32>,
      %parallel_loop3A_85 = arith.constant 9 : i32
      %parallel_loop3A_86 = arith.index_cast %parallel_loop3A_85 : i32 to index
      %parallel_loop3A_87 = arith.index_cast %parallel_loop3A_48 : i32 to index
      %parallel_loop3A_88 = tpu.vector_load %arg4[%parallel_loop3A_86, %parallel_loop3A_87] {strides = array<i32>} : memref<14x2048xf32, #tpu.memory_space<vmem>>, vector<16xf32>,
      %parallel_loop3A_89 = arith.constant 10 : i32
      %parallel_loop3A_90 = arith.index_cast %parallel_loop3A_89 : i32 to index
      %parallel_loop3A_91 = arith.index_cast %parallel_loop3A_48 : i32 to index
      %parallel_loop3A_92 = tpu.vector_load %arg4[%parallel_loop3A_90, %parallel_loop3A_91] {strides = array<i32>} : memref<14x2048xf32, #tpu.memory_space<vmem>>, vector<16xf32>,
      %parallel_loop3A_93 = arith.constant 11 : i32
      %parallel_loop3A_94 = arith.index_cast %parallel_loop3A_93 : i32 to index
      %parallel_loop3A_95 = arith.index_cast %parallel_loop3A_48 : i32 to index
      %parallel_loop3A_96 = tpu.vector_load %arg4[%parallel_loop3A_94, %parallel_loop3A_95] {strides = array<i32>} : memref<14x2048xf32, #tpu.memory_space<vmem>>, vector<16xf32>,
      %parallel_loop3A_97 = arith.constant 12 : i32
      %parallel_loop3A_98 = arith.index_cast %parallel_loop3A_97 : i32 to index
      %parallel_loop3A_99 = arith.index_cast %parallel_loop3A_48 : i32 to index
      %parallel_loop3A_100 = tpu.vector_load %arg4[%parallel_loop3A_98, %parallel_loop3A_99] {strides = array<i32>} : memref<14x2048xf32, #tpu.memory_space<vmem>>, vector<16xf32>,
      %parallel_loop3A_101 = arith.constant 13 : i32
      %parallel_loop3A_102 = arith.index_cast %parallel_loop3A_101 : i32 to index
      %parallel_loop3A_103 = arith.index_cast %parallel_loop3A_48 : i32 to index
      %parallel_loop3A_104 = tpu.vector_load %arg4[%parallel_loop3A_102, %parallel_loop3A_103] {strides = array<i32>} : memref<14x2048xf32, #tpu.memory_space<vmem>>, vector<16xf32>,
      %parallel_loop3A_105 = arith.subf %parallel_loop3A_56, %parallel_loop3A_52 : vector<16xf32>
      %parallel_loop3A_106 = math.exp %parallel_loop3A_105 : vector<16xf32>
      %parallel_loop3A_107 = arith.constant 1.000000e+00 : f32
      %parallel_loop3A_108 = vector.broadcast %parallel_loop3A_107 : f32 to vector<16xf32>
      %parallel_loop3A_109 = arith.addf %parallel_loop3A_108, %parallel_loop3A_106 : vector<16xf32>
      %parallel_loop3A_110 = arith.constant 1.000000e+00 : f32
      %parallel_loop3A_111 = vector.broadcast %parallel_loop3A_110 : f32 to vector<16xf32>
      %parallel_loop3A_112 = arith.divf %parallel_loop3A_111, %parallel_loop3A_109 : vector<16xf32>
      %parallel_loop3A_113 = arith.constant 1.000000e+00 : f32
      %parallel_loop3A_114 = vector.broadcast %parallel_loop3A_113 : f32 to vector<16xf32>
      %parallel_loop3A_115 = arith.subf %parallel_loop3A_114, %parallel_loop3A_112 : vector<16xf32>
      %parallel_loop3A_116 = arith.subf %parallel_loop3A_64, %parallel_loop3A_60 : vector<16xf32>
      %parallel_loop3A_117 = math.exp %parallel_loop3A_116 : vector<16xf32>
      %parallel_loop3A_118 = arith.constant 1.000000e+00 : f32
      %parallel_loop3A_119 = vector.broadcast %parallel_loop3A_118 : f32 to vector<16xf32>
      %parallel_loop3A_120 = arith.addf %parallel_loop3A_119, %parallel_loop3A_117 : vector<16xf32>
      %parallel_loop3A_121 = arith.constant 1.000000e+00 : f32
      %parallel_loop3A_122 = vector.broadcast %parallel_loop3A_121 : f32 to vector<16xf32>
      %parallel_loop3A_123 = arith.divf %parallel_loop3A_122, %parallel_loop3A_120 : vector<16xf32>
      %parallel_loop3A_124 = arith.constant 1.000000e+00 : f32
      %parallel_loop3A_125 = vector.broadcast %parallel_loop3A_124 : f32 to vector<16xf32>
      %parallel_loop3A_126 = arith.subf %parallel_loop3A_125, %parallel_loop3A_123 : vector<16xf32>
      %parallel_loop3A_127 = arith.subf %parallel_loop3A_72, %parallel_loop3A_68 : vector<16xf32>
      %parallel_loop3A_128 = math.exp %parallel_loop3A_127 : vector<16xf32>
      %parallel_loop3A_129 = arith.constant 1.000000e+00 : f32
      %parallel_loop3A_130 = vector.broadcast %parallel_loop3A_129 : f32 to vector<16xf32>
      %parallel_loop3A_131 = arith.addf %parallel_loop3A_130, %parallel_loop3A_128 : vector<16xf32>
      %parallel_loop3A_132 = arith.constant 1.000000e+00 : f32
      %parallel_loop3A_133 = vector.broadcast %parallel_loop3A_132 : f32 to vector<16xf32>
      %parallel_loop3A_134 = arith.divf %parallel_loop3A_133, %parallel_loop3A_131 : vector<16xf32>
      %parallel_loop3A_135 = arith.constant 1.000000e+00 : f32
      %parallel_loop3A_136 = vector.broadcast %parallel_loop3A_135 : f32 to vector<16xf32>
      %parallel_loop3A_137 = arith.subf %parallel_loop3A_136, %parallel_loop3A_134 : vector<16xf32>
      %parallel_loop3A_138 = arith.subf %parallel_loop3A_80, %parallel_loop3A_76 : vector<16xf32>
      %parallel_loop3A_139 = math.exp %parallel_loop3A_138 : vector<16xf32>
      %parallel_loop3A_140 = arith.constant 1.000000e+00 : f32
      %parallel_loop3A_141 = vector.broadcast %parallel_loop3A_140 : f32 to vector<16xf32>
      %parallel_loop3A_142 = arith.addf %parallel_loop3A_141, %parallel_loop3A_139 : vector<16xf32>
      %parallel_loop3A_143 = arith.constant 1.000000e+00 : f32
      %parallel_loop3A_144 = vector.broadcast %parallel_loop3A_143 : f32 to vector<16xf32>
      %parallel_loop3A_145 = arith.divf %parallel_loop3A_144, %parallel_loop3A_142 : vector<16xf32>
      %parallel_loop3A_146 = arith.constant 1.000000e+00 : f32
      %parallel_loop3A_147 = vector.broadcast %parallel_loop3A_146 : f32 to vector<16xf32>
      %parallel_loop3A_148 = arith.subf %parallel_loop3A_147, %parallel_loop3A_145 : vector<16xf32>
      %parallel_loop3A_149 = arith.subf %parallel_loop3A_88, %parallel_loop3A_84 : vector<16xf32>
      %parallel_loop3A_150 = math.exp %parallel_loop3A_149 : vector<16xf32>
      %parallel_loop3A_151 = arith.constant 1.000000e+00 : f32
      %parallel_loop3A_152 = vector.broadcast %parallel_loop3A_151 : f32 to vector<16xf32>
      %parallel_loop3A_153 = arith.addf %parallel_loop3A_152, %parallel_loop3A_150 : vector<16xf32>
      %parallel_loop3A_154 = arith.constant 1.000000e+00 : f32
      %parallel_loop3A_155 = vector.broadcast %parallel_loop3A_154 : f32 to vector<16xf32>
      %parallel_loop3A_156 = arith.divf %parallel_loop3A_155, %parallel_loop3A_153 : vector<16xf32>
      %parallel_loop3A_157 = arith.constant 1.000000e+00 : f32
      %parallel_loop3A_158 = vector.broadcast %parallel_loop3A_157 : f32 to vector<16xf32>
      %parallel_loop3A_159 = arith.subf %parallel_loop3A_158, %parallel_loop3A_156 : vector<16xf32>
      %parallel_loop3A_160 = arith.subf %parallel_loop3A_96, %parallel_loop3A_92 : vector<16xf32>
      %parallel_loop3A_161 = math.exp %parallel_loop3A_160 : vector<16xf32>
      %parallel_loop3A_162 = arith.constant 1.000000e+00 : f32
      %parallel_loop3A_163 = vector.broadcast %parallel_loop3A_162 : f32 to vector<16xf32>
      %parallel_loop3A_164 = arith.addf %parallel_loop3A_163, %parallel_loop3A_161 : vector<16xf32>
      %parallel_loop3A_165 = arith.constant 1.000000e+00 : f32
      %parallel_loop3A_166 = vector.broadcast %parallel_loop3A_165 : f32 to vector<16xf32>
      %parallel_loop3A_167 = arith.divf %parallel_loop3A_166, %parallel_loop3A_164 : vector<16xf32>
      %parallel_loop3A_168 = arith.constant 1.000000e+00 : f32
      %parallel_loop3A_169 = vector.broadcast %parallel_loop3A_168 : f32 to vector<16xf32>
      %parallel_loop3A_170 = arith.subf %parallel_loop3A_169, %parallel_loop3A_167 : vector<16xf32>
      %parallel_loop3A_171 = arith.subf %parallel_loop3A_104, %parallel_loop3A_100 : vector<16xf32>
      %parallel_loop3A_172 = math.exp %parallel_loop3A_171 : vector<16xf32>
      %parallel_loop3A_173 = arith.constant 1.000000e+00 : f32
      %parallel_loop3A_174 = vector.broadcast %parallel_loop3A_173 : f32 to vector<16xf32>
      %parallel_loop3A_175 = arith.addf %parallel_loop3A_174, %parallel_loop3A_172 : vector<16xf32>
      %parallel_loop3A_176 = arith.constant 1.000000e+00 : f32
      %parallel_loop3A_177 = vector.broadcast %parallel_loop3A_176 : f32 to vector<16xf32>
      %parallel_loop3A_178 = arith.divf %parallel_loop3A_177, %parallel_loop3A_175 : vector<16xf32>
      %parallel_loop3A_179 = arith.constant 1.000000e+00 : f32
      %parallel_loop3A_180 = vector.broadcast %parallel_loop3A_179 : f32 to vector<16xf32>
      %parallel_loop3A_181 = arith.subf %parallel_loop3A_180, %parallel_loop3A_178 : vector<16xf32>
      %parallel_loop3A_182 = arith.mulf %parallel_loop3A_123, %parallel_loop3A_112 : vector<16xf32>
      %parallel_loop3A_183 = arith.mulf %parallel_loop3A_126, %parallel_loop3A_112 : vector<16xf32>
      %parallel_loop3A_184 = arith.mulf %parallel_loop3A_134, %parallel_loop3A_115 : vector<16xf32>
      %parallel_loop3A_185 = arith.mulf %parallel_loop3A_137, %parallel_loop3A_115 : vector<16xf32>
      %parallel_loop3A_186 = arith.mulf %parallel_loop3A_145, %parallel_loop3A_182 : vector<16xf32>
      %parallel_loop3A_187 = arith.mulf %parallel_loop3A_148, %parallel_loop3A_182 : vector<16xf32>
      %parallel_loop3A_188 = arith.mulf %parallel_loop3A_156, %parallel_loop3A_183 : vector<16xf32>
      %parallel_loop3A_189 = arith.mulf %parallel_loop3A_159, %parallel_loop3A_183 : vector<16xf32>
      %parallel_loop3A_190 = arith.mulf %parallel_loop3A_167, %parallel_loop3A_184 : vector<16xf32>
      %parallel_loop3A_191 = arith.mulf %parallel_loop3A_170, %parallel_loop3A_184 : vector<16xf32>
      %parallel_loop3A_192 = arith.mulf %parallel_loop3A_178, %parallel_loop3A_185 : vector<16xf32>
      %parallel_loop3A_193 = arith.mulf %parallel_loop3A_181, %parallel_loop3A_185 : vector<16xf32>
      %parallel_loop3A_194 = arith.constant 0 : i32
      %parallel_loop3A_195 = arith.index_cast %parallel_loop3A_194 : i32 to index
      %parallel_loop3A_196 = arith.index_cast %parallel_loop3A_48 : i32 to index
      %parallel_loop3A_197 = tpu.vector_load %arg6[%parallel_loop3A_195, %parallel_loop3A_196] {strides = array<i32>} : memref<14x2048xf32, #tpu.memory_space<vmem>>, vector<16xf32>,
      tpu.vector_store %arg6[%parallel_loop3A_195, %parallel_loop3A_196], %parallel_loop3A_112 {strides = array<i32>} : memref<14x2048xf32, #tpu.memory_space<vmem>>, vector<16xf32>,
      %parallel_loop3A_198 = arith.constant 1 : i32
      %parallel_loop3A_199 = arith.index_cast %parallel_loop3A_198 : i32 to index
      %parallel_loop3A_200 = arith.index_cast %parallel_loop3A_48 : i32 to index
      %parallel_loop3A_201 = tpu.vector_load %arg6[%parallel_loop3A_199, %parallel_loop3A_200] {strides = array<i32>} : memref<14x2048xf32, #tpu.memory_space<vmem>>, vector<16xf32>,
      tpu.vector_store %arg6[%parallel_loop3A_199, %parallel_loop3A_200], %parallel_loop3A_115 {strides = array<i32>} : memref<14x2048xf32, #tpu.memory_space<vmem>>, vector<16xf32>,
      %parallel_loop3A_202 = arith.constant 2 : i32
      %parallel_loop3A_203 = arith.index_cast %parallel_loop3A_202 : i32 to index
      %parallel_loop3A_204 = arith.index_cast %parallel_loop3A_48 : i32 to index
      %parallel_loop3A_205 = tpu.vector_load %arg6[%parallel_loop3A_203, %parallel_loop3A_204] {strides = array<i32>} : memref<14x2048xf32, #tpu.memory_space<vmem>>, vector<16xf32>,
      tpu.vector_store %arg6[%parallel_loop3A_203, %parallel_loop3A_204], %parallel_loop3A_182 {strides = array<i32>} : memref<14x2048xf32, #tpu.memory_space<vmem>>, vector<16xf32>,
      %parallel_loop3A_206 = arith.constant 3 : i32
      %parallel_loop3A_207 = arith.index_cast %parallel_loop3A_206 : i32 to index
      %parallel_loop3A_208 = arith.index_cast %parallel_loop3A_48 : i32 to index
      %parallel_loop3A_209 = tpu.vector_load %arg6[%parallel_loop3A_207, %parallel_loop3A_208] {strides = array<i32>} : memref<14x2048xf32, #tpu.memory_space<vmem>>, vector<16xf32>,
      tpu.vector_store %arg6[%parallel_loop3A_207, %parallel_loop3A_208], %parallel_loop3A_183 {strides = array<i32>} : memref<14x2048xf32, #tpu.memory_space<vmem>>, vector<16xf32>,
      %parallel_loop3A_210 = arith.constant 4 : i32
      %parallel_loop3A_211 = arith.index_cast %parallel_loop3A_210 : i32 to index
      %parallel_loop3A_212 = arith.index_cast %parallel_loop3A_48 : i32 to index
      %parallel_loop3A_213 = tpu.vector_load %arg6[%parallel_loop3A_211, %parallel_loop3A_212] {strides = array<i32>} : memref<14x2048xf32, #tpu.memory_space<vmem>>, vector<16xf32>,
      tpu.vector_store %arg6[%parallel_loop3A_211, %parallel_loop3A_212], %parallel_loop3A_184 {strides = array<i32>} : memref<14x2048xf32, #tpu.memory_space<vmem>>, vector<16xf32>,
      %parallel_loop3A_214 = arith.constant 5 : i32
      %parallel_loop3A_215 = arith.index_cast %parallel_loop3A_214 : i32 to index
      %parallel_loop3A_216 = arith.index_cast %parallel_loop3A_48 : i32 to index
      %parallel_loop3A_217 = tpu.vector_load %arg6[%parallel_loop3A_215, %parallel_loop3A_216] {strides = array<i32>} : memref<14x2048xf32, #tpu.memory_space<vmem>>, vector<16xf32>,
      tpu.vector_store %arg6[%parallel_loop3A_215, %parallel_loop3A_216], %parallel_loop3A_185 {strides = array<i32>} : memref<14x2048xf32, #tpu.memory_space<vmem>>, vector<16xf32>,
      %parallel_loop3A_218 = arith.constant 6 : i32
      %parallel_loop3A_219 = arith.index_cast %parallel_loop3A_218 : i32 to index
      %parallel_loop3A_220 = arith.index_cast %parallel_loop3A_48 : i32 to index
      %parallel_loop3A_221 = tpu.vector_load %arg6[%parallel_loop3A_219, %parallel_loop3A_220] {strides = array<i32>} : memref<14x2048xf32, #tpu.memory_space<vmem>>, vector<16xf32>,
      tpu.vector_store %arg6[%parallel_loop3A_219, %parallel_loop3A_220], %parallel_loop3A_186 {strides = array<i32>} : memref<14x2048xf32, #tpu.memory_space<vmem>>, vector<16xf32>,
      %parallel_loop3A_222 = arith.constant 7 : i32
      %parallel_loop3A_223 = arith.index_cast %parallel_loop3A_222 : i32 to index
      %parallel_loop3A_224 = arith.index_cast %parallel_loop3A_48 : i32 to index
      %parallel_loop3A_225 = tpu.vector_load %arg6[%parallel_loop3A_223, %parallel_loop3A_224] {strides = array<i32>} : memref<14x2048xf32, #tpu.memory_space<vmem>>, vector<16xf32>,
      tpu.vector_store %arg6[%parallel_loop3A_223, %parallel_loop3A_224], %parallel_loop3A_187 {strides = array<i32>} : memref<14x2048xf32, #tpu.memory_space<vmem>>, vector<16xf32>,
      %parallel_loop3A_226 = arith.constant 8 : i32
      %parallel_loop3A_227 = arith.index_cast %parallel_loop3A_226 : i32 to index
      %parallel_loop3A_228 = arith.index_cast %parallel_loop3A_48 : i32 to index
      %parallel_loop3A_229 = tpu.vector_load %arg6[%parallel_loop3A_227, %parallel_loop3A_228] {strides = array<i32>} : memref<14x2048xf32, #tpu.memory_space<vmem>>, vector<16xf32>,
      tpu.vector_store %arg6[%parallel_loop3A_227, %parallel_loop3A_228], %parallel_loop3A_188 {strides = array<i32>} : memref<14x2048xf32, #tpu.memory_space<vmem>>, vector<16xf32>,
      %parallel_loop3A_230 = arith.constant 9 : i32
      %parallel_loop3A_231 = arith.index_cast %parallel_loop3A_230 : i32 to index
      %parallel_loop3A_232 = arith.index_cast %parallel_loop3A_48 : i32 to index
      %parallel_loop3A_233 = tpu.vector_load %arg6[%parallel_loop3A_231, %parallel_loop3A_232] {strides = array<i32>} : memref<14x2048xf32, #tpu.memory_space<vmem>>, vector<16xf32>,
      tpu.vector_store %arg6[%parallel_loop3A_231, %parallel_loop3A_232], %parallel_loop3A_189 {strides = array<i32>} : memref<14x2048xf32, #tpu.memory_space<vmem>>, vector<16xf32>,
      %parallel_loop3A_234 = arith.constant 10 : i32
      %parallel_loop3A_235 = arith.index_cast %parallel_loop3A_234 : i32 to index
      %parallel_loop3A_236 = arith.index_cast %parallel_loop3A_48 : i32 to index
      %parallel_loop3A_237 = tpu.vector_load %arg6[%parallel_loop3A_235, %parallel_loop3A_236] {strides = array<i32>} : memref<14x2048xf32, #tpu.memory_space<vmem>>, vector<16xf32>,
      tpu.vector_store %arg6[%parallel_loop3A_235, %parallel_loop3A_236], %parallel_loop3A_190 {strides = array<i32>} : memref<14x2048xf32, #tpu.memory_space<vmem>>, vector<16xf32>,
      %parallel_loop3A_238 = arith.constant 11 : i32
      %parallel_loop3A_239 = arith.index_cast %parallel_loop3A_238 : i32 to index
      %parallel_loop3A_240 = arith.index_cast %parallel_loop3A_48 : i32 to index
      %parallel_loop3A_241 = tpu.vector_load %arg6[%parallel_loop3A_239, %parallel_loop3A_240] {strides = array<i32>} : memref<14x2048xf32, #tpu.memory_space<vmem>>, vector<16xf32>,
      tpu.vector_store %arg6[%parallel_loop3A_239, %parallel_loop3A_240], %parallel_loop3A_191 {strides = array<i32>} : memref<14x2048xf32, #tpu.memory_space<vmem>>, vector<16xf32>,
      %parallel_loop3A_242 = arith.constant 12 : i32
      %parallel_loop3A_243 = arith.index_cast %parallel_loop3A_242 : i32 to index
      %parallel_loop3A_244 = arith.index_cast %parallel_loop3A_48 : i32 to index
      %parallel_loop3A_245 = tpu.vector_load %arg6[%parallel_loop3A_243, %parallel_loop3A_244] {strides = array<i32>} : memref<14x2048xf32, #tpu.memory_space<vmem>>, vector<16xf32>,
      tpu.vector_store %arg6[%parallel_loop3A_243, %parallel_loop3A_244], %parallel_loop3A_192 {strides = array<i32>} : memref<14x2048xf32, #tpu.memory_space<vmem>>, vector<16xf32>,
      %parallel_loop3A_246 = arith.constant 13 : i32
      %parallel_loop3A_247 = arith.index_cast %parallel_loop3A_246 : i32 to index
      %parallel_loop3A_248 = arith.index_cast %parallel_loop3A_48 : i32 to index
      %parallel_loop3A_249 = tpu.vector_load %arg6[%parallel_loop3A_247, %parallel_loop3A_248] {strides = array<i32>} : memref<14x2048xf32, #tpu.memory_space<vmem>>, vector<16xf32>,
      tpu.vector_store %arg6[%parallel_loop3A_247, %parallel_loop3A_248], %parallel_loop3A_193 {strides = array<i32>} : memref<14x2048xf32, #tpu.memory_space<vmem>>, vector<16xf32>,
    } {sc.loop_unroll_factor = 4 : i64, sc.parallel_access}
    %add3A_19 = arith.constant 0 : i32
    %add3A_20 = arith.addi %mul3A_2, %add3A_19 : i32
    %dma_start3A_21 = arith.constant 0 : i32
    %dma_start3A_22 = tpu.memref_slice %arg3[%dma_start3A_21, %add3A_20] : memref<14x131072xf32, #tpu.memory_space<hbm>> -> memref<14x2048xf32, #tpu.memory_space<hbm>>
    %dma_start3A_23 = arith.constant 0 : i32
    %dma_start3A_24 = tpu.memref_slice %arg3[%dma_start3A_23, %add3A_20] : memref<14x131072xf32, #tpu.memory_space<hbm>> -> memref<14x2048xf32, #tpu.memory_space<hbm>>
    tpu.enqueue_dma source(%arg6 : memref<14x2048xf32, #tpu.memory_space<vmem>>) target(%dma_start3A_24 : memref<14x2048xf32, #tpu.memory_space<hbm>>) target_semaphore(%arg10 : memref<!tpu.dma_semaphore, #tpu.memory_space<semaphore_mem>>)
    %dma_wait3A_25 = arith.constant 0 : i32
    %dma_wait3A_26 = tpu.memref_slice %arg2[%dma_wait3A_25, %add3A_9] : memref<14x131072xf32, #tpu.memory_space<hbm>> -> memref<14x2048xf32, #tpu.memory_space<hbm>>
    %dma_wait3A_27 = arith.constant 0 : i32
    %dma_wait3A_28 = tpu.memref_slice %arg2[%dma_wait3A_27, %add3A_9] : memref<14x131072xf32, #tpu.memory_space<hbm>> -> memref<14x2048xf32, #tpu.memory_space<hbm>>
    tpu.wait_dma2 semaphore(%arg9 : memref<!tpu.dma_semaphore, #tpu.memory_space<semaphore_mem>>) src(%dma_wait3A_28 : memref<14x2048xf32, #tpu.memory_space<hbm>>) dst(%arg5 : memref<14x2048xf32, #tpu.memory_space<vmem>>)
    %parallel_loop3A_29 = arith.constant 0 : i32
    %parallel_loop3A_30 = arith.constant 128 : i32
    %parallel_loop3A_31 = arith.constant 1 : i32
    scf.for %parallel_loop3A_46 = %parallel_loop3A_29 to %parallel_loop3A_30 step %parallel_loop3A_31  : i32 {
      %parallel_loop3A_47 = arith.constant 16 : i32
      %parallel_loop3A_48 = arith.muli %parallel_loop3A_46, %parallel_loop3A_47 : i32
      %parallel_loop3A_49 = arith.constant 0 : i32
      %parallel_loop3A_50 = arith.index_cast %parallel_loop3A_49 : i32 to index
      %parallel_loop3A_51 = arith.index_cast %parallel_loop3A_48 : i32 to index
      %parallel_loop3A_52 = tpu.vector_load %arg5[%parallel_loop3A_50, %parallel_loop3A_51] {strides = array<i32>} : memref<14x2048xf32, #tpu.memory_space<vmem>>, vector<16xf32>,
      %parallel_loop3A_53 = arith.constant 1 : i32
      %parallel_loop3A_54 = arith.index_cast %parallel_loop3A_53 : i32 to index
      %parallel_loop3A_55 = arith.index_cast %parallel_loop3A_48 : i32 to index
      %parallel_loop3A_56 = tpu.vector_load %arg5[%parallel_loop3A_54, %parallel_loop3A_55] {strides = array<i32>} : memref<14x2048xf32, #tpu.memory_space<vmem>>, vector<16xf32>,
      %parallel_loop3A_57 = arith.constant 2 : i32
      %parallel_loop3A_58 = arith.index_cast %parallel_loop3A_57 : i32 to index
      %parallel_loop3A_59 = arith.index_cast %parallel_loop3A_48 : i32 to index
      %parallel_loop3A_60 = tpu.vector_load %arg5[%parallel_loop3A_58, %parallel_loop3A_59] {strides = array<i32>} : memref<14x2048xf32, #tpu.memory_space<vmem>>, vector<16xf32>,
      %parallel_loop3A_61 = arith.constant 3 : i32
      %parallel_loop3A_62 = arith.index_cast %parallel_loop3A_61 : i32 to index
      %parallel_loop3A_63 = arith.index_cast %parallel_loop3A_48 : i32 to index
      %parallel_loop3A_64 = tpu.vector_load %arg5[%parallel_loop3A_62, %parallel_loop3A_63] {strides = array<i32>} : memref<14x2048xf32, #tpu.memory_space<vmem>>, vector<16xf32>,
      %parallel_loop3A_65 = arith.constant 4 : i32
      %parallel_loop3A_66 = arith.index_cast %parallel_loop3A_65 : i32 to index
      %parallel_loop3A_67 = arith.index_cast %parallel_loop3A_48 : i32 to index
      %parallel_loop3A_68 = tpu.vector_load %arg5[%parallel_loop3A_66, %parallel_loop3A_67] {strides = array<i32>} : memref<14x2048xf32, #tpu.memory_space<vmem>>, vector<16xf32>,
      %parallel_loop3A_69 = arith.constant 5 : i32
      %parallel_loop3A_70 = arith.index_cast %parallel_loop3A_69 : i32 to index
      %parallel_loop3A_71 = arith.index_cast %parallel_loop3A_48 : i32 to index
      %parallel_loop3A_72 = tpu.vector_load %arg5[%parallel_loop3A_70, %parallel_loop3A_71] {strides = array<i32>} : memref<14x2048xf32, #tpu.memory_space<vmem>>, vector<16xf32>,
      %parallel_loop3A_73 = arith.constant 6 : i32
      %parallel_loop3A_74 = arith.index_cast %parallel_loop3A_73 : i32 to index
      %parallel_loop3A_75 = arith.index_cast %parallel_loop3A_48 : i32 to index
      %parallel_loop3A_76 = tpu.vector_load %arg5[%parallel_loop3A_74, %parallel_loop3A_75] {strides = array<i32>} : memref<14x2048xf32, #tpu.memory_space<vmem>>, vector<16xf32>,
      %parallel_loop3A_77 = arith.constant 7 : i32
      %parallel_loop3A_78 = arith.index_cast %parallel_loop3A_77 : i32 to index
      %parallel_loop3A_79 = arith.index_cast %parallel_loop3A_48 : i32 to index
      %parallel_loop3A_80 = tpu.vector_load %arg5[%parallel_loop3A_78, %parallel_loop3A_79] {strides = array<i32>} : memref<14x2048xf32, #tpu.memory_space<vmem>>, vector<16xf32>,
      %parallel_loop3A_81 = arith.constant 8 : i32
      %parallel_loop3A_82 = arith.index_cast %parallel_loop3A_81 : i32 to index
      %parallel_loop3A_83 = arith.index_cast %parallel_loop3A_48 : i32 to index
      %parallel_loop3A_84 = tpu.vector_load %arg5[%parallel_loop3A_82, %parallel_loop3A_83] {strides = array<i32>} : memref<14x2048xf32, #tpu.memory_space<vmem>>, vector<16xf32>,
      %parallel_loop3A_85 = arith.constant 9 : i32
      %parallel_loop3A_86 = arith.index_cast %parallel_loop3A_85 : i32 to index
      %parallel_loop3A_87 = arith.index_cast %parallel_loop3A_48 : i32 to index
      %parallel_loop3A_88 = tpu.vector_load %arg5[%parallel_loop3A_86, %parallel_loop3A_87] {strides = array<i32>} : memref<14x2048xf32, #tpu.memory_space<vmem>>, vector<16xf32>,
      %parallel_loop3A_89 = arith.constant 10 : i32
      %parallel_loop3A_90 = arith.index_cast %parallel_loop3A_89 : i32 to index
      %parallel_loop3A_91 = arith.index_cast %parallel_loop3A_48 : i32 to index
      %parallel_loop3A_92 = tpu.vector_load %arg5[%parallel_loop3A_90, %parallel_loop3A_91] {strides = array<i32>} : memref<14x2048xf32, #tpu.memory_space<vmem>>, vector<16xf32>,
      %parallel_loop3A_93 = arith.constant 11 : i32
      %parallel_loop3A_94 = arith.index_cast %parallel_loop3A_93 : i32 to index
      %parallel_loop3A_95 = arith.index_cast %parallel_loop3A_48 : i32 to index
      %parallel_loop3A_96 = tpu.vector_load %arg5[%parallel_loop3A_94, %parallel_loop3A_95] {strides = array<i32>} : memref<14x2048xf32, #tpu.memory_space<vmem>>, vector<16xf32>,
      %parallel_loop3A_97 = arith.constant 12 : i32
      %parallel_loop3A_98 = arith.index_cast %parallel_loop3A_97 : i32 to index
      %parallel_loop3A_99 = arith.index_cast %parallel_loop3A_48 : i32 to index
      %parallel_loop3A_100 = tpu.vector_load %arg5[%parallel_loop3A_98, %parallel_loop3A_99] {strides = array<i32>} : memref<14x2048xf32, #tpu.memory_space<vmem>>, vector<16xf32>,
      %parallel_loop3A_101 = arith.constant 13 : i32
      %parallel_loop3A_102 = arith.index_cast %parallel_loop3A_101 : i32 to index
      %parallel_loop3A_103 = arith.index_cast %parallel_loop3A_48 : i32 to index
      %parallel_loop3A_104 = tpu.vector_load %arg5[%parallel_loop3A_102, %parallel_loop3A_103] {strides = array<i32>} : memref<14x2048xf32, #tpu.memory_space<vmem>>, vector<16xf32>,
      %parallel_loop3A_105 = arith.subf %parallel_loop3A_56, %parallel_loop3A_52 : vector<16xf32>
      %parallel_loop3A_106 = math.exp %parallel_loop3A_105 : vector<16xf32>
      %parallel_loop3A_107 = arith.constant 1.000000e+00 : f32
      %parallel_loop3A_108 = vector.broadcast %parallel_loop3A_107 : f32 to vector<16xf32>
      %parallel_loop3A_109 = arith.addf %parallel_loop3A_108, %parallel_loop3A_106 : vector<16xf32>
      %parallel_loop3A_110 = arith.constant 1.000000e+00 : f32
      %parallel_loop3A_111 = vector.broadcast %parallel_loop3A_110 : f32 to vector<16xf32>
      %parallel_loop3A_112 = arith.divf %parallel_loop3A_111, %parallel_loop3A_109 : vector<16xf32>
      %parallel_loop3A_113 = arith.constant 1.000000e+00 : f32
      %parallel_loop3A_114 = vector.broadcast %parallel_loop3A_113 : f32 to vector<16xf32>
      %parallel_loop3A_115 = arith.subf %parallel_loop3A_114, %parallel_loop3A_112 : vector<16xf32>
      %parallel_loop3A_116 = arith.subf %parallel_loop3A_64, %parallel_loop3A_60 : vector<16xf32>
      %parallel_loop3A_117 = math.exp %parallel_loop3A_116 : vector<16xf32>
      %parallel_loop3A_118 = arith.constant 1.000000e+00 : f32
      %parallel_loop3A_119 = vector.broadcast %parallel_loop3A_118 : f32 to vector<16xf32>
      %parallel_loop3A_120 = arith.addf %parallel_loop3A_119, %parallel_loop3A_117 : vector<16xf32>
      %parallel_loop3A_121 = arith.constant 1.000000e+00 : f32
      %parallel_loop3A_122 = vector.broadcast %parallel_loop3A_121 : f32 to vector<16xf32>
      %parallel_loop3A_123 = arith.divf %parallel_loop3A_122, %parallel_loop3A_120 : vector<16xf32>
      %parallel_loop3A_124 = arith.constant 1.000000e+00 : f32
      %parallel_loop3A_125 = vector.broadcast %parallel_loop3A_124 : f32 to vector<16xf32>
      %parallel_loop3A_126 = arith.subf %parallel_loop3A_125, %parallel_loop3A_123 : vector<16xf32>
      %parallel_loop3A_127 = arith.subf %parallel_loop3A_72, %parallel_loop3A_68 : vector<16xf32>
      %parallel_loop3A_128 = math.exp %parallel_loop3A_127 : vector<16xf32>
      %parallel_loop3A_129 = arith.constant 1.000000e+00 : f32
      %parallel_loop3A_130 = vector.broadcast %parallel_loop3A_129 : f32 to vector<16xf32>
      %parallel_loop3A_131 = arith.addf %parallel_loop3A_130, %parallel_loop3A_128 : vector<16xf32>
      %parallel_loop3A_132 = arith.constant 1.000000e+00 : f32
      %parallel_loop3A_133 = vector.broadcast %parallel_loop3A_132 : f32 to vector<16xf32>
      %parallel_loop3A_134 = arith.divf %parallel_loop3A_133, %parallel_loop3A_131 : vector<16xf32>
      %parallel_loop3A_135 = arith.constant 1.000000e+00 : f32
      %parallel_loop3A_136 = vector.broadcast %parallel_loop3A_135 : f32 to vector<16xf32>
      %parallel_loop3A_137 = arith.subf %parallel_loop3A_136, %parallel_loop3A_134 : vector<16xf32>
      %parallel_loop3A_138 = arith.subf %parallel_loop3A_80, %parallel_loop3A_76 : vector<16xf32>
      %parallel_loop3A_139 = math.exp %parallel_loop3A_138 : vector<16xf32>
      %parallel_loop3A_140 = arith.constant 1.000000e+00 : f32
      %parallel_loop3A_141 = vector.broadcast %parallel_loop3A_140 : f32 to vector<16xf32>
      %parallel_loop3A_142 = arith.addf %parallel_loop3A_141, %parallel_loop3A_139 : vector<16xf32>
      %parallel_loop3A_143 = arith.constant 1.000000e+00 : f32
      %parallel_loop3A_144 = vector.broadcast %parallel_loop3A_143 : f32 to vector<16xf32>
      %parallel_loop3A_145 = arith.divf %parallel_loop3A_144, %parallel_loop3A_142 : vector<16xf32>
      %parallel_loop3A_146 = arith.constant 1.000000e+00 : f32
      %parallel_loop3A_147 = vector.broadcast %parallel_loop3A_146 : f32 to vector<16xf32>
      %parallel_loop3A_148 = arith.subf %parallel_loop3A_147, %parallel_loop3A_145 : vector<16xf32>
      %parallel_loop3A_149 = arith.subf %parallel_loop3A_88, %parallel_loop3A_84 : vector<16xf32>
      %parallel_loop3A_150 = math.exp %parallel_loop3A_149 : vector<16xf32>
      %parallel_loop3A_151 = arith.constant 1.000000e+00 : f32
      %parallel_loop3A_152 = vector.broadcast %parallel_loop3A_151 : f32 to vector<16xf32>
      %parallel_loop3A_153 = arith.addf %parallel_loop3A_152, %parallel_loop3A_150 : vector<16xf32>
      %parallel_loop3A_154 = arith.constant 1.000000e+00 : f32
      %parallel_loop3A_155 = vector.broadcast %parallel_loop3A_154 : f32 to vector<16xf32>
      %parallel_loop3A_156 = arith.divf %parallel_loop3A_155, %parallel_loop3A_153 : vector<16xf32>
      %parallel_loop3A_157 = arith.constant 1.000000e+00 : f32
      %parallel_loop3A_158 = vector.broadcast %parallel_loop3A_157 : f32 to vector<16xf32>
      %parallel_loop3A_159 = arith.subf %parallel_loop3A_158, %parallel_loop3A_156 : vector<16xf32>
      %parallel_loop3A_160 = arith.subf %parallel_loop3A_96, %parallel_loop3A_92 : vector<16xf32>
      %parallel_loop3A_161 = math.exp %parallel_loop3A_160 : vector<16xf32>
      %parallel_loop3A_162 = arith.constant 1.000000e+00 : f32
      %parallel_loop3A_163 = vector.broadcast %parallel_loop3A_162 : f32 to vector<16xf32>
      %parallel_loop3A_164 = arith.addf %parallel_loop3A_163, %parallel_loop3A_161 : vector<16xf32>
      %parallel_loop3A_165 = arith.constant 1.000000e+00 : f32
      %parallel_loop3A_166 = vector.broadcast %parallel_loop3A_165 : f32 to vector<16xf32>
      %parallel_loop3A_167 = arith.divf %parallel_loop3A_166, %parallel_loop3A_164 : vector<16xf32>
      %parallel_loop3A_168 = arith.constant 1.000000e+00 : f32
      %parallel_loop3A_169 = vector.broadcast %parallel_loop3A_168 : f32 to vector<16xf32>
      %parallel_loop3A_170 = arith.subf %parallel_loop3A_169, %parallel_loop3A_167 : vector<16xf32>
      %parallel_loop3A_171 = arith.subf %parallel_loop3A_104, %parallel_loop3A_100 : vector<16xf32>
      %parallel_loop3A_172 = math.exp %parallel_loop3A_171 : vector<16xf32>
      %parallel_loop3A_173 = arith.constant 1.000000e+00 : f32
      %parallel_loop3A_174 = vector.broadcast %parallel_loop3A_173 : f32 to vector<16xf32>
      %parallel_loop3A_175 = arith.addf %parallel_loop3A_174, %parallel_loop3A_172 : vector<16xf32>
      %parallel_loop3A_176 = arith.constant 1.000000e+00 : f32
      %parallel_loop3A_177 = vector.broadcast %parallel_loop3A_176 : f32 to vector<16xf32>
      %parallel_loop3A_178 = arith.divf %parallel_loop3A_177, %parallel_loop3A_175 : vector<16xf32>
      %parallel_loop3A_179 = arith.constant 1.000000e+00 : f32
      %parallel_loop3A_180 = vector.broadcast %parallel_loop3A_179 : f32 to vector<16xf32>
      %parallel_loop3A_181 = arith.subf %parallel_loop3A_180, %parallel_loop3A_178 : vector<16xf32>
      %parallel_loop3A_182 = arith.mulf %parallel_loop3A_123, %parallel_loop3A_112 : vector<16xf32>
      %parallel_loop3A_183 = arith.mulf %parallel_loop3A_126, %parallel_loop3A_112 : vector<16xf32>
      %parallel_loop3A_184 = arith.mulf %parallel_loop3A_134, %parallel_loop3A_115 : vector<16xf32>
      %parallel_loop3A_185 = arith.mulf %parallel_loop3A_137, %parallel_loop3A_115 : vector<16xf32>
      %parallel_loop3A_186 = arith.mulf %parallel_loop3A_145, %parallel_loop3A_182 : vector<16xf32>
      %parallel_loop3A_187 = arith.mulf %parallel_loop3A_148, %parallel_loop3A_182 : vector<16xf32>
      %parallel_loop3A_188 = arith.mulf %parallel_loop3A_156, %parallel_loop3A_183 : vector<16xf32>
      %parallel_loop3A_189 = arith.mulf %parallel_loop3A_159, %parallel_loop3A_183 : vector<16xf32>
      %parallel_loop3A_190 = arith.mulf %parallel_loop3A_167, %parallel_loop3A_184 : vector<16xf32>
      %parallel_loop3A_191 = arith.mulf %parallel_loop3A_170, %parallel_loop3A_184 : vector<16xf32>
      %parallel_loop3A_192 = arith.mulf %parallel_loop3A_178, %parallel_loop3A_185 : vector<16xf32>
      %parallel_loop3A_193 = arith.mulf %parallel_loop3A_181, %parallel_loop3A_185 : vector<16xf32>
      %parallel_loop3A_194 = arith.constant 0 : i32
      %parallel_loop3A_195 = arith.index_cast %parallel_loop3A_194 : i32 to index
      %parallel_loop3A_196 = arith.index_cast %parallel_loop3A_48 : i32 to index
      %parallel_loop3A_197 = tpu.vector_load %arg7[%parallel_loop3A_195, %parallel_loop3A_196] {strides = array<i32>} : memref<14x2048xf32, #tpu.memory_space<vmem>>, vector<16xf32>,
      tpu.vector_store %arg7[%parallel_loop3A_195, %parallel_loop3A_196], %parallel_loop3A_112 {strides = array<i32>} : memref<14x2048xf32, #tpu.memory_space<vmem>>, vector<16xf32>,
      %parallel_loop3A_198 = arith.constant 1 : i32
      %parallel_loop3A_199 = arith.index_cast %parallel_loop3A_198 : i32 to index
      %parallel_loop3A_200 = arith.index_cast %parallel_loop3A_48 : i32 to index
      %parallel_loop3A_201 = tpu.vector_load %arg7[%parallel_loop3A_199, %parallel_loop3A_200] {strides = array<i32>} : memref<14x2048xf32, #tpu.memory_space<vmem>>, vector<16xf32>,
      tpu.vector_store %arg7[%parallel_loop3A_199, %parallel_loop3A_200], %parallel_loop3A_115 {strides = array<i32>} : memref<14x2048xf32, #tpu.memory_space<vmem>>, vector<16xf32>,
      %parallel_loop3A_202 = arith.constant 2 : i32
      %parallel_loop3A_203 = arith.index_cast %parallel_loop3A_202 : i32 to index
      %parallel_loop3A_204 = arith.index_cast %parallel_loop3A_48 : i32 to index
      %parallel_loop3A_205 = tpu.vector_load %arg7[%parallel_loop3A_203, %parallel_loop3A_204] {strides = array<i32>} : memref<14x2048xf32, #tpu.memory_space<vmem>>, vector<16xf32>,
      tpu.vector_store %arg7[%parallel_loop3A_203, %parallel_loop3A_204], %parallel_loop3A_182 {strides = array<i32>} : memref<14x2048xf32, #tpu.memory_space<vmem>>, vector<16xf32>,
      %parallel_loop3A_206 = arith.constant 3 : i32
      %parallel_loop3A_207 = arith.index_cast %parallel_loop3A_206 : i32 to index
      %parallel_loop3A_208 = arith.index_cast %parallel_loop3A_48 : i32 to index
      %parallel_loop3A_209 = tpu.vector_load %arg7[%parallel_loop3A_207, %parallel_loop3A_208] {strides = array<i32>} : memref<14x2048xf32, #tpu.memory_space<vmem>>, vector<16xf32>,
      tpu.vector_store %arg7[%parallel_loop3A_207, %parallel_loop3A_208], %parallel_loop3A_183 {strides = array<i32>} : memref<14x2048xf32, #tpu.memory_space<vmem>>, vector<16xf32>,
      %parallel_loop3A_210 = arith.constant 4 : i32
      %parallel_loop3A_211 = arith.index_cast %parallel_loop3A_210 : i32 to index
      %parallel_loop3A_212 = arith.index_cast %parallel_loop3A_48 : i32 to index
      %parallel_loop3A_213 = tpu.vector_load %arg7[%parallel_loop3A_211, %parallel_loop3A_212] {strides = array<i32>} : memref<14x2048xf32, #tpu.memory_space<vmem>>, vector<16xf32>,
      tpu.vector_store %arg7[%parallel_loop3A_211, %parallel_loop3A_212], %parallel_loop3A_184 {strides = array<i32>} : memref<14x2048xf32, #tpu.memory_space<vmem>>, vector<16xf32>,
      %parallel_loop3A_214 = arith.constant 5 : i32
      %parallel_loop3A_215 = arith.index_cast %parallel_loop3A_214 : i32 to index
      %parallel_loop3A_216 = arith.index_cast %parallel_loop3A_48 : i32 to index
      %parallel_loop3A_217 = tpu.vector_load %arg7[%parallel_loop3A_215, %parallel_loop3A_216] {strides = array<i32>} : memref<14x2048xf32, #tpu.memory_space<vmem>>, vector<16xf32>,
      tpu.vector_store %arg7[%parallel_loop3A_215, %parallel_loop3A_216], %parallel_loop3A_185 {strides = array<i32>} : memref<14x2048xf32, #tpu.memory_space<vmem>>, vector<16xf32>,
      %parallel_loop3A_218 = arith.constant 6 : i32
      %parallel_loop3A_219 = arith.index_cast %parallel_loop3A_218 : i32 to index
      %parallel_loop3A_220 = arith.index_cast %parallel_loop3A_48 : i32 to index
      %parallel_loop3A_221 = tpu.vector_load %arg7[%parallel_loop3A_219, %parallel_loop3A_220] {strides = array<i32>} : memref<14x2048xf32, #tpu.memory_space<vmem>>, vector<16xf32>,
      tpu.vector_store %arg7[%parallel_loop3A_219, %parallel_loop3A_220], %parallel_loop3A_186 {strides = array<i32>} : memref<14x2048xf32, #tpu.memory_space<vmem>>, vector<16xf32>,
      %parallel_loop3A_222 = arith.constant 7 : i32
      %parallel_loop3A_223 = arith.index_cast %parallel_loop3A_222 : i32 to index
      %parallel_loop3A_224 = arith.index_cast %parallel_loop3A_48 : i32 to index
      %parallel_loop3A_225 = tpu.vector_load %arg7[%parallel_loop3A_223, %parallel_loop3A_224] {strides = array<i32>} : memref<14x2048xf32, #tpu.memory_space<vmem>>, vector<16xf32>,
      tpu.vector_store %arg7[%parallel_loop3A_223, %parallel_loop3A_224], %parallel_loop3A_187 {strides = array<i32>} : memref<14x2048xf32, #tpu.memory_space<vmem>>, vector<16xf32>,
      %parallel_loop3A_226 = arith.constant 8 : i32
      %parallel_loop3A_227 = arith.index_cast %parallel_loop3A_226 : i32 to index
      %parallel_loop3A_228 = arith.index_cast %parallel_loop3A_48 : i32 to index
      %parallel_loop3A_229 = tpu.vector_load %arg7[%parallel_loop3A_227, %parallel_loop3A_228] {strides = array<i32>} : memref<14x2048xf32, #tpu.memory_space<vmem>>, vector<16xf32>,
      tpu.vector_store %arg7[%parallel_loop3A_227, %parallel_loop3A_228], %parallel_loop3A_188 {strides = array<i32>} : memref<14x2048xf32, #tpu.memory_space<vmem>>, vector<16xf32>,
      %parallel_loop3A_230 = arith.constant 9 : i32
      %parallel_loop3A_231 = arith.index_cast %parallel_loop3A_230 : i32 to index
      %parallel_loop3A_232 = arith.index_cast %parallel_loop3A_48 : i32 to index
      %parallel_loop3A_233 = tpu.vector_load %arg7[%parallel_loop3A_231, %parallel_loop3A_232] {strides = array<i32>} : memref<14x2048xf32, #tpu.memory_space<vmem>>, vector<16xf32>,
      tpu.vector_store %arg7[%parallel_loop3A_231, %parallel_loop3A_232], %parallel_loop3A_189 {strides = array<i32>} : memref<14x2048xf32, #tpu.memory_space<vmem>>, vector<16xf32>,
      %parallel_loop3A_234 = arith.constant 10 : i32
      %parallel_loop3A_235 = arith.index_cast %parallel_loop3A_234 : i32 to index
      %parallel_loop3A_236 = arith.index_cast %parallel_loop3A_48 : i32 to index
      %parallel_loop3A_237 = tpu.vector_load %arg7[%parallel_loop3A_235, %parallel_loop3A_236] {strides = array<i32>} : memref<14x2048xf32, #tpu.memory_space<vmem>>, vector<16xf32>,
      tpu.vector_store %arg7[%parallel_loop3A_235, %parallel_loop3A_236], %parallel_loop3A_190 {strides = array<i32>} : memref<14x2048xf32, #tpu.memory_space<vmem>>, vector<16xf32>,
      %parallel_loop3A_238 = arith.constant 11 : i32
      %parallel_loop3A_239 = arith.index_cast %parallel_loop3A_238 : i32 to index
      %parallel_loop3A_240 = arith.index_cast %parallel_loop3A_48 : i32 to index
      %parallel_loop3A_241 = tpu.vector_load %arg7[%parallel_loop3A_239, %parallel_loop3A_240] {strides = array<i32>} : memref<14x2048xf32, #tpu.memory_space<vmem>>, vector<16xf32>,
      tpu.vector_store %arg7[%parallel_loop3A_239, %parallel_loop3A_240], %parallel_loop3A_191 {strides = array<i32>} : memref<14x2048xf32, #tpu.memory_space<vmem>>, vector<16xf32>,
      %parallel_loop3A_242 = arith.constant 12 : i32
      %parallel_loop3A_243 = arith.index_cast %parallel_loop3A_242 : i32 to index
      %parallel_loop3A_244 = arith.index_cast %parallel_loop3A_48 : i32 to index
      %parallel_loop3A_245 = tpu.vector_load %arg7[%parallel_loop3A_243, %parallel_loop3A_244] {strides = array<i32>} : memref<14x2048xf32, #tpu.memory_space<vmem>>, vector<16xf32>,
      tpu.vector_store %arg7[%parallel_loop3A_243, %parallel_loop3A_244], %parallel_loop3A_192 {strides = array<i32>} : memref<14x2048xf32, #tpu.memory_space<vmem>>, vector<16xf32>,
      %parallel_loop3A_246 = arith.constant 13 : i32
      %parallel_loop3A_247 = arith.index_cast %parallel_loop3A_246 : i32 to index
      %parallel_loop3A_248 = arith.index_cast %parallel_loop3A_48 : i32 to index
      %parallel_loop3A_249 = tpu.vector_load %arg7[%parallel_loop3A_247, %parallel_loop3A_248] {strides = array<i32>} : memref<14x2048xf32, #tpu.memory_space<vmem>>, vector<16xf32>,
      tpu.vector_store %arg7[%parallel_loop3A_247, %parallel_loop3A_248], %parallel_loop3A_193 {strides = array<i32>} : memref<14x2048xf32, #tpu.memory_space<vmem>>, vector<16xf32>,
    } {sc.loop_unroll_factor = 4 : i64, sc.parallel_access}
    %add3A_32 = arith.constant 2048 : i32
    %add3A_33 = arith.addi %mul3A_2, %add3A_32 : i32
    %dma_start3A_34 = arith.constant 0 : i32
    %dma_start3A_35 = tpu.memref_slice %arg3[%dma_start3A_34, %add3A_33] : memref<14x131072xf32, #tpu.memory_space<hbm>> -> memref<14x2048xf32, #tpu.memory_space<hbm>>
    %dma_start3A_36 = arith.constant 0 : i32
    %dma_start3A_37 = tpu.memref_slice %arg3[%dma_start3A_36, %add3A_33] : memref<14x131072xf32, #tpu.memory_space<hbm>> -> memref<14x2048xf32, #tpu.memory_space<hbm>>
    tpu.enqueue_dma source(%arg7 : memref<14x2048xf32, #tpu.memory_space<vmem>>) target(%dma_start3A_37 : memref<14x2048xf32, #tpu.memory_space<hbm>>) target_semaphore(%arg11 : memref<!tpu.dma_semaphore, #tpu.memory_space<semaphore_mem>>)
    %dma_wait3A_38 = arith.constant 0 : i32
    %dma_wait3A_39 = tpu.memref_slice %arg3[%dma_wait3A_38, %add3A_20] : memref<14x131072xf32, #tpu.memory_space<hbm>> -> memref<14x2048xf32, #tpu.memory_space<hbm>>
    %dma_wait3A_40 = arith.constant 0 : i32
    %dma_wait3A_41 = tpu.memref_slice %arg3[%dma_wait3A_40, %add3A_20] : memref<14x131072xf32, #tpu.memory_space<hbm>> -> memref<14x2048xf32, #tpu.memory_space<hbm>>
    tpu.wait_dma2 semaphore(%arg10 : memref<!tpu.dma_semaphore, #tpu.memory_space<semaphore_mem>>) src(%arg6 : memref<14x2048xf32, #tpu.memory_space<vmem>>) dst(%dma_wait3A_41 : memref<14x2048xf32, #tpu.memory_space<hbm>>)
    %dma_wait3A_42 = arith.constant 0 : i32
    %dma_wait3A_43 = tpu.memref_slice %arg3[%dma_wait3A_42, %add3A_33] : memref<14x131072xf32, #tpu.memory_space<hbm>> -> memref<14x2048xf32, #tpu.memory_space<hbm>>
    %dma_wait3A_44 = arith.constant 0 : i32
    %dma_wait3A_45 = tpu.memref_slice %arg3[%dma_wait3A_44, %add3A_33] : memref<14x131072xf32, #tpu.memory_space<hbm>> -> memref<14x2048xf32, #tpu.memory_space<hbm>>
    tpu.wait_dma2 semaphore(%arg11 : memref<!tpu.dma_semaphore, #tpu.memory_space<semaphore_mem>>) src(%arg7 : memref<14x2048xf32, #tpu.memory_space<vmem>>) dst(%dma_wait3A_45 : memref<14x2048xf32, #tpu.memory_space<hbm>>)
    return
  }
}

</mosaic_0001>

<sc_bundles>
// kernel: kernel.3.cloned.1.call-start
scs
__scs_entry_jumppad:
0x0: {  	(pc) =	sbr.rel $0x88, $3  }
0x1: {  	(tag) =	ssettag $0x0;
	lr =	simm.s32 $0x1  }
0x2: {  	[smem:$0x3FA0] =	sst lr;
	_ =	strace $0xD0000000  }
0x3: {  	_ = 	snop  }
0x4: {  	_ = 	snop  }
0x5: {  	_ = 	snop  }
0x6: {  	_ = 	snop  }
0x7: {  	_ = 	snop  }
__scs_overlays_trampoline_lowered:
0x8: {  	[smem:$0x3FAF] =	sst s0  }
0x9: {  	[smem:$0x3FB0] =	sst s1  }
0xa: {  	[smem:$0x3FB1] =	sst s2  }
0xb: {  	[smem:$0x3FB2] =	sst s3  }
0xc: {  	[smem:$0x3FB3] =	sst s4  }
0xd: {  	[smem:$0x3FB4] =	sst s5  }
0xe: {  	[smem:$0x3FB5] =	sst s6  }
0xf: {  	[smem:$0x3FB6] =	sst s7  }
0x10: {  	[smem:$0x3FB7] =	sst s8  }
0x11: {  	[smem:$0x3FB8] =	sst s9;
	s0 =	simm.s32 @!p0 $0x0  }
0x12: {  	s1 =	sld [smem:$0x3F9E];
	s0 =	simm.s32 @p0 $0x1  }
0x13: {  	[smem:$0x3FB9] =	sst s0;
	s0 =	simm.s32 @!p1 $0x0  }
0x14: {  	s2 =	sld [smem:$0x3F9D];
	s0 =	simm.s32 @p1 $0x1  }
0x15: {  	[smem:$0x3FBA] =	sst s0;
	s0 =	simm.s32 @!p2 $0x0  }
0x16: {  	s3 =	sld [smem:$0x3FDB];
	s0 =	simm.s32 @p2 $0x1  }
0x17: {  	s4 =	simm.s32 $0x1BF5;
	[smem:$0x3FBC] =	sst s0  }
0x18: {  	s0 =	sld [smem:$0x3F9F];
	_ =	swait.ge [sflag:s4], $0x0  }
0x19: {  	s7 =	sld [smem:$0x3FA0]  }
0x1a: {  	s8 =	sadd.s32 $0xFFFFE003, lr  }
0x1b: {  	s9 =	sadd.s32 $0xFFFFFEF7, lr;
	s5 =	simm.s32 $0xFFFFFFFF;
	p2 =	slt.u32 s8, $0xFFFFF086  }
0x1c: {  	p1 =	slt.u32 s9, $0xF7A;
	s5 =	simm.s32 @!p2 $0x0  }
0x1d: {  	s5 =	simm.s32 @p1 $0x1;
	p0 =	seq.s32 s7, s2  }
0x1e: {  	s7 =	smul.u32 @!p0 $0xF7A, s2;
	p2 =	seq.s32 @!p0 s5, $0x0  }
0x1f: {  	s9 =	smul.u32 $0xF7A, s1;
	s8 =	simm.s32 @!p0 $0x1BF5;
	p2 =	por !p2, p0  }
0x20: {  	[sflag:s8] =	ssyncset.s32 @!p0 $0xFFFFF086;
	s6 =	sadd.s32 @!p0 s3, s7;
	s7 =	simm.s32 @!p0 $0x108  }
0x21: {  	s3 =	sadd.s32 s3, s9;
	s6 =	sadd.s32 @!p0 $0x88, s6;
	s7 =	simm.s32 @p2 $0x1082  }
0x22: {  	[simem:s7], [sflag:s8] =	dma.local @!p0 [hbm:s6], $0xF7A  }
0x23: {  	s9 =	sor.u32 $0xD0000000, s2;
	s6 =	simm.s32 $0x108;
	_ =	swait.ge @!p0 [sflag:s8], $0x0  }
0x24: {  	s3 =	sadd.s32 $0x88, s3;
	s6 =	simm.s32 @!p1 $0x1082;
	[sflag:s4] =	ssyncset.s32 $0xFFFFF086  }
0x25: {  	[simem:s6], [sflag:s4] =	dma.local [hbm:s3], $0xF7A  }
0x26: {  	[smem:$0x3FA0] =	sst s1;
	(tag) =	ssettag s2;
	_ =	strace s9  }
0x27: {  	s1 =	sld [smem:$0x3FB0]  }
0x28: {  	s2 =	sld [smem:$0x3FB1]  }
0x29: {  	s4 =	sld [smem:$0x3FB3]  }
0x2a: {  	p0 =	seq.s32 s5, $0x0;
	s5 =	sld [smem:$0x3FB4]  }
0x2b: {  	s6 =	sld [smem:$0x3FB5]  }
0x2c: {  	s7 =	sld [smem:$0x3FB6]  }
0x2d: {  	s3 =	simm.s32 $0x108;
	s8 =	sld [smem:$0x3FB7]  }
0x2e: {  	s3 =	simm.s32 @!p0 $0x1082;
	s9 =	sld [smem:$0x3FB8]  }
0x2f: {  	lr =	sadd.s32 s0, s3;
	s0 =	sld [smem:$0x3FAF]  }
0x30: {  	s3 =	sld [smem:$0x3FB2]  }
0x31: {  	[smem:$0x3FBB] =	sst s10  }
0x32: {  	s10 =	sld [smem:$0x3FB9];
	_ =	sdelay $0x3  }
0x33: {  	p0 =	seq.s32 s10, $0x1;
	s10 =	sld [smem:$0x3FBB];
	_ =	sdelay $0x3  }
0x34: {  	[smem:$0x3FBB] =	sst s10  }
0x35: {  	s10 =	sld [smem:$0x3FBA];
	_ =	sdelay $0x3  }
0x36: {  	p1 =	seq.s32 s10, $0x1;
	s10 =	sld [smem:$0x3FBB];
	_ =	sdelay $0x3  }
0x37: {  	[smem:$0x3FBB] =	sst s10  }
0x38: {  	s10 =	sld [smem:$0x3FBC]  }
0x39: {  	_ = 	snop;
	(pc) =	sbr.ind lr, $3  }
0x3a: {  	_ = 	snop  }
0x3b: {  	_ = 	snop  }
0x3c: {  	p2 =	seq.s32 s10, $0x1;
	s10 =	sld [smem:$0x3FBB]  }
0x3d: {  	_ =	shalt  }
0x3e: {  	_ =	shalt  }
0x3f: {  	_ =	shalt  }
0x40: {  	_ =	shalt  }
0x41: {  	_ =	shalt  }
0x42: {  	_ =	shalt  }
0x43: {  	_ =	shalt  }
0x44: {  	_ =	shalt  }
0x45: {  	_ =	shalt  }
0x46: {  	_ =	shalt  }
0x47: {  	_ =	shalt  }
0x48: {  	_ =	shalt  }
0x49: {  	_ =	shalt  }
0x4a: {  	_ =	shalt  }
0x4b: {  	_ =	shalt  }
0x4c: {  	_ =	shalt  }
0x4d: {  	_ =	shalt  }
0x4e: {  	_ =	shalt  }
0x4f: {  	_ =	shalt  }
0x50: {  	_ =	shalt  }
0x51: {  	_ =	shalt  }
0x52: {  	_ =	shalt  }
0x53: {  	_ =	shalt  }
0x54: {  	_ =	shalt  }
0x55: {  	_ =	shalt  }
0x56: {  	_ =	shalt  }
0x57: {  	_ =	shalt  }
0x58: {  	_ =	shalt  }
0x59: {  	_ =	shalt  }
0x5a: {  	_ =	shalt  }
0x5b: {  	_ =	shalt  }
0x5c: {  	_ =	shalt  }
0x5d: {  	_ =	shalt  }
0x5e: {  	_ =	shalt  }
0x5f: {  	_ =	shalt  }
0x60: {  	_ =	shalt  }
0x61: {  	_ =	shalt  }
0x62: {  	_ =	shalt  }
0x63: {  	_ =	shalt  }
0x64: {  	_ =	shalt  }
0x65: {  	_ =	shalt  }
0x66: {  	_ =	shalt  }
0x67: {  	_ =	shalt  }
0x68: {  	_ =	shalt  }
0x69: {  	_ =	shalt  }
0x6a: {  	_ =	shalt  }
0x6b: {  	_ =	shalt  }
0x6c: {  	_ =	shalt  }
0x6d: {  	_ =	shalt  }
0x6e: {  	_ =	shalt  }
0x6f: {  	_ =	shalt  }
0x70: {  	_ =	shalt  }
0x71: {  	_ =	shalt  }
0x72: {  	_ =	shalt  }
0x73: {  	_ =	shalt  }
0x74: {  	_ =	shalt  }
0x75: {  	_ =	shalt  }
0x76: {  	_ =	shalt  }
0x77: {  	_ =	shalt  }
0x78: {  	_ =	shalt  }
0x79: {  	_ =	shalt  }
0x7a: {  	_ =	shalt  }
0x7b: {  	_ =	shalt  }
0x7c: {  	_ =	shalt  }
0x7d: {  	_ =	shalt  }
0x7e: {  	_ =	shalt  }
0x7f: {  	_ =	shalt  }
0x80: {  	_ =	shalt  }
0x81: {  	_ =	shalt  }
0x82: {  	_ =	shalt  }
0x83: {  	_ =	shalt  }
0x84: {  	_ =	shalt  }
0x85: {  	_ =	shalt  }
0x86: {  	_ =	shalt  }
0x87: {  	_ =	shalt  }
.Lfunc_end0:
.L_simem_size_0:
called_computation_lowered:
.L_overlay_start_0:
0x88: {  	s2 =	sld [smem:$0x3FD9]  }
0x89: {  	s3 =	sld [smem:$0x3FFE];
	_ =	sdelay $0x1  }
0x8a: {  	s1 =	srdreg.scid  }
0x8b: {  	s0 =	sand.u32 $0x1, s1  }
0x8c: {  	s17 =	sshll.u32 s0, $0xA;
	s2 =	sadd.s32 s3, s2  }
0x8d: {  	s2 =	sadd.s32 s2, s17  }
0x8e: {  	[smem:$0x3FC7] =	sst s2  }
0x8f: {  	_ = 	snop  }
0x90: {  	s2 =	sld [smem:$0x3FD0];
	(tm) =	ssettm $0x1  }
0x91: {  	s18 =	sld [smem:$0x3FFB];
	_ =	sdelay $0x3  }
0x92: {  	_ =	strace s18  }
0x93: {  	s3 =	sld [smem:$0x3FFC];
	_ =	sdelay $0x3  }
0x94: {  	_ =	strace s3  }
0x95: {  	s3 =	sld [smem:$0x3FFD];
	_ =	sdelay $0x3  }
0x96: {  	_ =	strace s3  }
0x97: {  	_ =	strace $0x8FFFFFFF  }
0x98: {  	s19 =	sld [smem:$0x3FDB];
	_ =	sdelay $0x1  }
0x99: {  	s4 =	simm.s32 $_scs_section_size  }
0x9a: {  	s5 =	simm.s32 $_size__tile_overlayer_lowered;
	s6 =	simm.s32 $_tile_overlayer_lowered  }
0x9b: {  	s22 =	simm.s32 $0x1BFF;
	s21 =	sshll.u32 s6, $0x1;
	s3 =	sadd.s32 s4, s19  }
0x9c: {  	s7 =	simm.s32 $0x0;
	s20 =	sshll.u32 s5, $0x1;
	s5 =	sadd.s32 s21, s3  }
0x9d: {  	[timem:s7], [sflag:s22] =	dma.local [hbm:s5], s20  }
0x9e: {  	_ =	swait.ge [sflag:s22], s20  }
0x9f: {  	s4 =	ssub.s32 $0x0, s20;
	[sflag:s22] =	ssyncset.done $0x0  }
0xa0: {  	[sflag:s22] =	ssyncadd.s32 s4;
	_ =	sdelay $0x1  }
0xa1: {  	s23 =	simm.s32 $0x1B8B  }
0xa2: {  	_ =	swait.ge [sflag:s23], $0x1  }
0xa3: {  	[sflag:s23] =	ssyncset.done $0x0  }
0xa4: {  	s25 =	simm.s32 $0x1B8E;
	s24 =	sld [smem:$0x3FFE];
	[sflag:s23] =	ssyncadd.s32 $0xFFFFFFFF  }
0xa5: {  	s26 =	simm.s32 $execute0_lowered;
	[smem:$0x3FD2] =	sst s25  }
0xa6: {  	s5 =	sshll.u32 s26, $0x1;
	_ =	strace $0x80000046;
	[dreg:$0x1] =	wrdreg $0xFFFFFFFF  }
0xa7: {  	s28 =	simm.s32 $_size_execute0_lowered;
	s3 =	sadd.s32 s3, s5;
	[dreg:$0x0] =	wrdreg $0x0  }
0xa8: {  	s5 =	sshll.u32 s28, $0x1;
	[dreg:$0x2] =	wrdreg s3  }
0xa9: {  	[dreg:$0x3] =	wrdreg s5  }
0xaa: {  	[dreg:$0x4] =	wrdreg $0xC0  }
0xab: {  	_ =	task [dreg:s7], $0x5FFFF  }
0xac: {  	[dreg:$0x1] =	wrdreg $0xFFFFFFFF  }
0xad: {  	[dreg:$0x0] =	wrdreg $0x60  }
0xae: {  	[dreg:$0x2] =	wrdreg s2  }
0xaf: {  	[dreg:$0x3] =	wrdreg s24  }
0xb0: {  	[dreg:$0x4] =	wrdreg $0x9  }
0xb1: {  	_ =	task.clear_ibuf [dreg:s7], $0x5FFFF;
	_ =	strace $0x90000046  }
0xb2: {  	s29 =	simm.s32 $0x9;
	_ =	strace $0x80000048  }
0xb3: {  	_ =	swait.ge [sflag:s29], $0x1  }
0xb4: {  	[sflag:s29] =	ssyncadd.s32 $0xFFFFFFFF  }
0xb5: {  	_ =	strace $0x90000048  }
0xb6: {  	_ =	sfence  }
0xb7: {  	s30 =	sld [smem:$0x0];
	_ =	sdelay $0x2  }
0xb8: {  	s31 =	sshll.u32 s1, $0xD;
	s1 =	sshrl.u32 s1, $0x2  }
0xb9: {  	s3 =	sand.u32 $0x4000, s31;
	s1 =	sadd.s32 s1, s30  }
0xba: {  	s0 =	sor.u32 s3, s0;
	s1 =	sshll.u32 s1, $0x11  }
0xbb: {  	s0 =	sor.u32 s1, s0  }
0xbc: {  	s0 =	sadd.s32 $0x8F2B, s0  }
0xbd: {  	[sflag:s0] =	ssyncadd.remote.s32 $0x1  }
0xbe: {  	_ =	sfence.sel $0xFFFF  }
0xbf: {  	[dreg:$0x0] =	wrdreg $0xFFFFFFFF;
	(pc) =	sbr.abs _section_cstart, $3  }
0xc0: {  	[dreg:$0x1] =	wrdreg $0xFFFFFFFF  }
0xc1: {  	_ =	task.clear_ibuf [dreg:s7], $0x2FFFF;
	_ =	strace $0x9FFFFFFF  }
0xc2: {  	(tm) =	ssettm $0x7FFFFFFF  }
0xc3: {  	_ =	shalt  }
tec
execute0_lowered:
.L_overlay_start_1:
0x0: {  	(tag) =	ssettag $0x1  }
0x1: {  	s4 =	rddreg [dreg:$0x0]  }
0x2: {  	s3 =	rddreg [dreg:$0x1]  }
0x3: {  	s0 =	rddreg [dreg:$0x2];
	s2 =	simm.s32 $0x0;
	s5 =	srdreg.scid  }
0x4: {  	s1 =	stileid.u32;
	s9 =	simm.s32 $0x20000;
	s10 =	simm.s32 $0x7000  }
0x5: {  	s11 =	simm.s32 $0x1;
	s12 =	simm.s32 $0xE000;
	s13 =	simm.s32 $0x2  }
0x6: {  	s14 =	simm.s32 $0x15000;
	s15 =	simm.s32 $0x3;
	s16 =	simm.s32 $0x4  }
0x7: {  	s17 =	simm.s32 $0x0;
	[smem:$0x7FF] =	sst s2;
	s5 =	sand.u32 $0x1, s5  }
0x8: {  	s7 =	sshll.u32 s1, $0xA;
	s6 =	ssub.s32 $0x2, s5;
	s5 =	sshll.u32 s5, $0x9  }
0x9: {  	s30 =	sadd.s32 $0x400, s3;
	s8 =	sshrl.u32 s6, $0x1;
	s5 =	sor.u32 s5, s7  }
0xa: {  	_ =	strace $0x80000047;
	s8 =	ssub.s32 s6, s8;
	s31 =	sor.u32 $0x100, s5  }
0xb: {  	s3 =	sadd.s32 s4, s5;
	s5 =	sadd.s32 s30, s5;
	s4 =	sadd.s32 s4, s31  }
0xc: {  	s6 =	sadd.s32 s30, s31;
	s7 =	smax.u32 s8, $0x1;
	s8 =	simm.s32 $0x800  }
.LBB2_1:
0xd: {  	[tilespmem:s2], [sflag:$0x1] =	stream.strided.gather [hbm4b:s3+s8], $0x7000, s9, s8, $0x38;
	[tilespmem:$0x1C000] =	vst v63  }
0xe: {  	_ = 	snop  }
0xf: {  	[tilespmem:s10], [sflag:$0x2] =	stream.strided.gather [hbm4b:s4+s8], $0x7000, s9, s8, $0x38;
	[tilespmem:$0x1C000] =	vst v63  }
0x10: {  	_ =	swait.ge [sflag:s11], $0x7000  }
0x11: {  	[sflag:s11] =	ssyncset.done $0x0  }
0x12: {  	s18 =	simm.s32 $0x0;
	[sflag:s11] =	ssyncadd.s32 $0xFFFF9000  }
0x13: {  	v0 =	vld [tilespmem:s18+$0x30]  }
0x14: {  	v1 =	vld [tilespmem:s18+$0x830]  }
0x15: {  	v2 =	vld [tilespmem:s18+$0x2030]  }
0x16: {  	v3 =	vld [tilespmem:s18+$0x2830]  }
0x17: {  	v4 =	vld [tilespmem:s18+$0x6030]  }
0x18: {  	v5 =	vld [tilespmem:s18+$0x6830]  }
0x19: {  	v6 =	vld [tilespmem:s18+$0x0]  }
0x1a: {  	v7 =	vld [tilespmem:s18+$0x800];
	v0 =	vsub.f32 v1, v0  }
0x1b: {  	v8 =	vld [tilespmem:s18+$0x2000]  }
0x1c: {  	v9 =	vld [tilespmem:s18+$0x1010];
	v0 =	vmul.f32 $1.442695020e+00, v0  }
0x1d: {  	v1 =	vld [tilespmem:s18+$0x1000];
	v2 =	vsub.f32 v3, v2  }
0x1e: {  	v3 =	vld [tilespmem:s18+$0x1800];
	(erf) = vpow2.f32 v0  }
0x1f: {  	v10 =	vld [tilespmem:s18+$0x1020];
	v4 =	vsub.f32 v5, v4;
	v2 =	vmul.f32 $1.442695020e+00, v2  }
0x20: {  	v5 =	vld [tilespmem:s18+$0x2800]  }
0x21: {  	v4 =	vmul.f32 $1.442695020e+00, v4;
	v0 =	vld [tilespmem:s18+$0x10];
	(erf) = vpow2.f32 v2  }
0x22: {  	v2 =	vld [tilespmem:s18+$0x810]  }
0x23: {  	v1 =	vsub.f32 v3, v1;
	v3 =	vld [tilespmem:s18+$0x2810];
	(erf) = vpow2.f32 v4;
	v4 =	vsub.f32 v7, v6  }
0x24: {  	v6 =	vld [tilespmem:s18+$0x1810]  }
0x25: {  	v5 =	vsub.f32 v5, v8;
	v8 =	vld [tilespmem:s18+$0x20];
	v4 =	vmul.f32 $1.442695020e+00, v4  }
0x26: {  	v7 =	vld [tilespmem:s18+$0x2010];
	v1 =	vmul.f32 $1.442695020e+00, v1  }
0x27: {  	v5 =	vmul.f32 $1.442695020e+00, v5;
	(erf) = vpow2.f32 v4;
	v4 =	vld [tilespmem:s18+$0x820];
	v11 =	vpop (erf)  }
0x28: {  	v0 =	vsub.f32 v2, v0;
	(erf) = vpow2.f32 v1;
	v1 =	vld [tilespmem:s18+$0x1820];
	v2 =	vadd.f32 $1.000000000e+00, v11  }
0x29: {  	v6 =	vsub.f32 v6, v9;
	v9 =	vld [tilespmem:s18+$0x2820]  }
0x2a: {  	(erf) = vpow2.f32 v5;
	v5 =	vld [tilespmem:s18+$0x2020];
	v11 =	vpop (erf)  }
0x2b: {  	v3 =	vsub.f32 v3, v7;
	v7 =	vld [tilespmem:s18+$0x1030];
	v0 =	vmul.f32 $1.442695020e+00, v0;
	v11 =	vadd.f32 $1.000000000e+00, v11  }
0x2c: {  	v6 =	vmul.f32 $1.442695020e+00, v6;
	v4 =	vsub.f32 v4, v8;
	v8 =	vld [tilespmem:s18+$0x1830];
	(erf) = vrcp.f32 v2;
	v2 =	vpop (erf)  }
0x2d: {  	v1 =	vsub.f32 v1, v10;
	v10 =	vld [tilespmem:s18+$0x3800];
	(erf) = vrcp.f32 v11;
	v2 =	vadd.f32 $1.000000000e+00, v2  }
0x2e: {  	(erf) = vpow2.f32 v0;
	v0 =	vmul.f32 $1.442695020e+00, v3;
	v3 =	vld [tilespmem:s18+$0x3000]  }
0x2f: {  	v12 =	vld [tilespmem:s18+$0x3010];
	v5 =	vsub.f32 v9, v5;
	(erf) = vrcp.f32 v2;
	v2 =	vmul.f32 $1.442695020e+00, v4  }
0x30: {  	v9 =	vld [tilespmem:s18+$0x4800];
	v1 =	vmul.f32 $1.442695020e+00, v1;
	v4 =	vpop (erf);
	(erf) = vpow2.f32 v6  }
0x31: {  	v6 =	vld [tilespmem:s18+$0x4000];
	(erf) = vpow2.f32 v0;
	v0 =	vadd.f32 $1.000000000e+00, v4;
	v4 =	vmul.f32 $1.442695020e+00, v5  }
0x32: {  	v11 =	vld [tilespmem:s18+$0x5000];
	v5 =	vsub.f32 v8, v7;
	(erf) = vpow2.f32 v2  }
0x33: {  	v7 =	vld [tilespmem:s18+$0x5800];
	v3 =	vsub.f32 v10, v3;
	v2 =	vpop (erf);
	(erf) = vpow2.f32 v1  }
0x34: {  	v8 =	vld [tilespmem:s18+$0x6000];
	v1 =	vadd.f32 $1.000000000e+00, v2;
	v2 =	vpop (erf);
	(erf) = vrcp.f32 v0;
	v0 =	vmul.f32 $1.442695020e+00, v5  }
0x35: {  	v5 =	vld [tilespmem:s18+$0x6800];
	(erf) = vpow2.f32 v4;
	v4 =	vpop (erf)  }
0x36: {  	v3 =	vmul.f32 $1.442695020e+00, v3;
	v6 =	vsub.f32 v9, v6;
	v9 =	vld [tilespmem:s18+$0x3810];
	v10 =	vpop (erf)  }
0x37: {  	v17 =	vld [tilespmem:s18+$0x4810];
	v2 =	vadd.f32 $1.000000000e+00, v2;
	(erf) = vrcp.f32 v1;
	v13 =	vsub.f32 $1.000000000e+00, v4;
	v14 =	vpop (erf)  }
0x38: {  	v19 =	vld [tilespmem:s18+$0x5810];
	v7 =	vsub.f32 v7, v11;
	v1 =	vsub.f32 $1.000000000e+00, v10;
	(erf) = vpow2.f32 v0;
	v0 =	vpop (erf)  }
0x39: {  	v11 =	vld [tilespmem:s18+$0x4010];
	v6 =	vmul.f32 $1.442695020e+00, v6;
	v14 =	vadd.f32 $1.000000000e+00, v14;
	(erf) = vpow2.f32 v3;
	v16 =	vpop (erf)  }
0x3a: {  	v21 =	vld [tilespmem:s18+$0x6810];
	v7 =	vmul.f32 $1.442695020e+00, v7;
	v15 =	vsub.f32 $1.000000000e+00, v0;
	v5 =	vsub.f32 v5, v8;
	v3 =	vpop (erf)  }
0x3b: {  	v1 =	vmul.f32 v1, v13;
	v8 =	vld [tilespmem:s18+$0x5010];
	(erf) = vpow2.f32 v6;
	v9 =	vsub.f32 v9, v12;
	v18 =	vpop (erf)  }
0x3c: {  	v6 =	vld [tilespmem:s18+$0x6010];
	v20 =	vadd.f32 $1.000000000e+00, v3;
	v5 =	vmul.f32 $1.442695020e+00, v5;
	(erf) = vpow2.f32 v7;
	v3 =	vpop (erf)  }
0x3d: {  	v23 =	vld [tilespmem:s18+$0x3820];
	v16 =	vadd.f32 $1.000000000e+00, v16;
	(erf) = vrcp.f32 v2;
	v22 =	vadd.f32 $1.000000000e+00, v3  }
0x3e: {  	v27 =	vld [tilespmem:s18+$0x5830];
	v12 =	vpop (erf);
	v3 =	vmul.f32 $1.442695020e+00, v9;
	v9 =	vsub.f32 v17, v11;
	(erf) = vpow2.f32 v5  }
0x3f: {  	v15 =	vmul.f32 v15, v1;
	v18 =	vadd.f32 $1.000000000e+00, v18;
	v11 =	vld [tilespmem:s18+$0x3020];
	v2 =	vpop (erf);
	(erf) = vrcp.f32 v14  }
0x40: {  	v8 =	vsub.f32 v19, v8;
	v14 =	vld [tilespmem:s18+$0x4020];
	v17 =	vpop (erf);
	v24 =	vadd.f32 $1.000000000e+00, v2;
	v9 =	vmul.f32 $1.442695020e+00, v9  }
0x41: {  	v19 =	vld [tilespmem:s18+$0x4820];
	(erf) = vpow2.f32 v3;
	v6 =	vsub.f32 v21, v6;
	v5 =	vsub.f32 $1.000000000e+00, v17;
	v2 =	vpop (erf)  }
0x42: {  	(erf) = vrcp.f32 v16;
	v16 =	vld [tilespmem:s18+$0x5820];
	v25 =	vadd.f32 $1.000000000e+00, v2;
	v2 =	vmul.f32 $1.442695020e+00, v8  }
0x43: {  	v7 =	vsub.f32 $1.000000000e+00, v12;
	v8 =	vld [tilespmem:s18+$0x5020];
	v3 =	vpop (erf);
	(erf) = vpow2.f32 v9;
	v6 =	vmul.f32 $1.442695020e+00, v6  }
0x44: {  	[tilespmem:s18+$0x14830] =	vst v15;
	v15 =	vld [tilespmem:s18+$0x6820];
	v5 =	vmul.f32 v5, v12;
	v9 =	vadd.f32 $1.000000000e+00, v3;
	(erf) = vrcp.f32 v20  }
0x45: {  	[tilespmem:s18+$0xE830] =	vst v13;
	v3 =	vmul.f32 v10, v13;
	v10 =	vld [tilespmem:s18+$0x6020];
	v11 =	vsub.f32 v23, v11;
	v13 =	vpop (erf);
	(erf) = vpow2.f32 v2  }
0x46: {  	v20 =	vld [tilespmem:s18+$0x3830];
	v2 =	vmul.f32 v17, v12;
	v14 =	vsub.f32 v19, v14;
	v17 =	vpop (erf);
	(erf) = vrcp.f32 v18  }
0x47: {  	v13 =	vadd.f32 $1.000000000e+00, v13;
	v11 =	vmul.f32 $1.442695020e+00, v11;
	v18 =	vld [tilespmem:s18+$0x3030];
	v19 =	vpop (erf);
	(erf) = vpow2.f32 v6  }
0x48: {  	v17 =	vadd.f32 $1.000000000e+00, v17;
	v21 =	vpop (erf);
	(erf) = vrcp.f32 v22;
	v8 =	vsub.f32 v16, v8;
	v16 =	vld [tilespmem:s18+$0x4030]  }
0x49: {  	v14 =	vmul.f32 $1.442695020e+00, v14;
	v6 =	vsub.f32 $1.000000000e+00, v19;
	v22 =	vld [tilespmem:s18+$0x4830];
	v26 =	vpop (erf);
	(erf) = vpow2.f32 v11  }
0x4a: {  	v11 =	vadd.f32 $1.000000000e+00, v21;
	v10 =	vsub.f32 v15, v10;
	v15 =	vld [tilespmem:s18+$0x5030];
	v23 =	vpop (erf);
	(erf) = vrcp.f32 v24  }
0x4b: {  	[tilespmem:s18+$0xE030] =	vst v4;
	v21 =	vsub.f32 $1.000000000e+00, v26;
	v8 =	vmul.f32 $1.442695020e+00, v8;
	v24 =	vpop (erf);
	(erf) = vpow2.f32 v14  }
0x4c: {  	[tilespmem:s18+$0x10830] =	vst v1;
	v23 =	vadd.f32 $1.000000000e+00, v23;
	v10 =	vmul.f32 $1.442695020e+00, v10;
	v28 =	vpop (erf);
	(erf) = vrcp.f32 v25  }
0x4d: {  	[tilespmem:s18+$0xE000] =	vst v12;
	v18 =	vsub.f32 v20, v18;
	v14 =	vsub.f32 $1.000000000e+00, v24;
	v20 =	vpop (erf);
	(erf) = vpow2.f32 v8  }
0x4e: {  	[tilespmem:s18+$0xE800] =	vst v7;
	v12 =	vadd.f32 $1.000000000e+00, v28;
	v16 =	vsub.f32 v22, v16;
	(erf) = vrcp.f32 v9;
	v9 =	vpop (erf)  }
0x4f: {  	[tilespmem:s18+$0x10030] =	vst v3;
	v18 =	vmul.f32 $1.442695020e+00, v18;
	v15 =	vsub.f32 v27, v15;
	v28 =	vpop (erf);
	(erf) = vpow2.f32 v10  }
0x50: {  	[tilespmem:s18+$0xF800] =	vst v5;
	v8 =	vsub.f32 $1.000000000e+00, v20;
	v16 =	vmul.f32 $1.442695020e+00, v16;
	(erf) = vrcp.f32 v13;
	v13 =	vpop (erf)  }
0x51: {  	[tilespmem:s18+$0xF000] =	vst v2;
	v10 =	vsub.f32 $1.000000000e+00, v28;
	v15 =	vmul.f32 $1.442695020e+00, v15;
	v27 =	vpop (erf);
	(erf) = vpow2.f32 v18  }
0x52: {  	[tilespmem:s18+$0xE010] =	vst v26;
	v22 =	vadd.f32 $1.000000000e+00, v13;
	v18 =	vmul.f32 v19, v7;
	(erf) = vrcp.f32 v17;
	v17 =	vpop (erf)  }
0x53: {  	[tilespmem:s18+$0xE810] =	vst v21;
	v25 =	vadd.f32 $1.000000000e+00, v17;
	v29 =	vpop (erf);
	(erf) = vpow2.f32 v16;
	v17 =	vmul.f32 v6, v7  }
0x54: {  	[tilespmem:s18+$0xE020] =	vst v28;
	v13 =	vsub.f32 $1.000000000e+00, v27;
	v16 =	vmul.f32 v14, v26;
	(erf) = vrcp.f32 v11;
	v11 =	vpop (erf)  }
0x55: {  	v9 =	vadd.f32 $1.000000000e+00, v9;
	[tilespmem:s18+$0xE820] =	vst v10;
	v14 =	vmul.f32 v8, v21;
	v19 =	vpop (erf);
	(erf) = vpow2.f32 v15  }
0x56: {  	[tilespmem:s18+$0x10000] =	vst v18;
	v30 =	vsub.f32 $1.000000000e+00, v29;
	v13 =	vmul.f32 v13, v28;
	(erf) = vrcp.f32 v23;
	v6 =	vpop (erf)  }
0x57: {  	v31 =	vadd.f32 $1.000000000e+00, v11;
	[tilespmem:s18+$0x10800] =	vst v17;
	v15 =	vmul.f32 v20, v21;
	v7 =	vpop (erf);
	(erf) = vrcp.f32 v12  }
0x58: {  	[tilespmem:s18+$0xF810] =	vst v16;
	v32 =	vsub.f32 $1.000000000e+00, v19;
	v11 =	vmul.f32 v30, v10;
	(erf) = vrcp.f32 v9;
	v8 =	vpop (erf)  }
0x59: {  	[tilespmem:s18+$0x10810] =	vst v14;
	v33 =	vadd.f32 $1.000000000e+00, v6;
	v12 =	vmul.f32 v29, v10;
	v20 =	vpop (erf);
	(erf) = vrcp.f32 v22  }
0x5a: {  	[tilespmem:s18+$0xF820] =	vst v13;
	v6 =	vsub.f32 $1.000000000e+00, v7;
	v10 =	vmul.f32 v32, v4;
	(erf) = vrcp.f32 v25;
	v9 =	vpop (erf)  }
0x5b: {  	[tilespmem:s18+$0x10010] =	vst v15;
	v8 =	vadd.f32 $1.000000000e+00, v8;
	v21 =	vsub.f32 $1.000000000e+00, v20;
	v23 =	vpop (erf);
	(erf) = vrcp.f32 v31  }
0x5c: {  	[tilespmem:s18+$0x10820] =	vst v11;
	v29 =	vadd.f32 $1.000000000e+00, v9;
	v9 =	vmul.f32 v24, v26;
	(erf) = vrcp.f32 v33;
	v25 =	vpop (erf)  }
0x5d: {  	[tilespmem:s18+$0x10020] =	vst v12;
	v22 =	vsub.f32 $1.000000000e+00, v23;
	v26 =	vadd.f32 $1.000000000e+00, v25;
	v25 =	vpop (erf);
	(erf) = vrcp.f32 v8  }
0x5e: {  	s19 =	simm.s32 $0x0;
	s20 =	simm.s32 $0x100;
	[tilespmem:s18+$0xF830] =	vst v10;
	v8 =	vmul.f32 v27, v28;
	v24 =	vsub.f32 $1.000000000e+00, v25;
	(erf) = vrcp.f32 v29;
	v27 =	vpop (erf)  }
.LBB2_2:
0x5f: {  	s21 =	sshra.s32 s20, $0x2;
	[tilespmem:s18+$0xF010] =	vst v9;
	v27 =	vadd.f32 $1.000000000e+00, v27;
	v4 =	vmul.f32 v19, v4;
	v19 =	vpop (erf);
	(erf) = vrcp.f32 v26  }
0x60: {  	v20 =	vmul.f32 v20, v5;
	v21 =	vmul.f32 v21, v5;
	v26 =	vld [tilespmem:s21+$0x30];
	v5 =	vsub.f32 $1.000000000e+00, v19;
	[tilespmem:s18+$0xF020] =	vst v8;
	v28 =	vpop (erf)  }
0x61: {  	v23 =	vmul.f32 v23, v18;
	v29 =	vld [tilespmem:s21+$0x830];
	v30 =	vsub.f32 $1.000000000e+00, v28;
	[tilespmem:s18+$0xF030] =	vst v4;
	v31 =	vpop (erf);
	(erf) = vrcp.f32 v27  }
0x62: {  	s19 =	sadd.s32 $0x4, s19;
	v18 =	vmul.f32 v22, v18;
	v22 =	vmul.f32 v25, v17;
	v27 =	vld [tilespmem:s21+$0x2030];
	[tilespmem:s18+$0x12000] =	vst v20;
	v20 =	vsub.f32 $1.000000000e+00, v31;
	v25 =	vpop (erf)  }
0x63: {  	p0 =	slt.u32 s19, $0x7C;
	v17 =	vmul.f32 v24, v17;
	v24 =	vmul.f32 v28, v16;
	v32 =	vld [tilespmem:s21+$0x2830];
	[tilespmem:s18+$0x12800] =	vst v21;
	v21 =	vsub.f32 $1.000000000e+00, v25;
	v28 =	vpop (erf)  }
0x64: {  	v16 =	vmul.f32 v30, v16;
	v33 =	vld [tilespmem:s21+$0x6030];
	[tilespmem:s18+$0x13000] =	vst v23;
	v23 =	vmul.f32 v31, v15;
	v30 =	vsub.f32 $1.000000000e+00, v28;
	v31 =	vpop (erf)  }
0x65: {  	v15 =	vmul.f32 v20, v15;
	v34 =	vld [tilespmem:s21+$0x6830];
	[tilespmem:s18+$0x13800] =	vst v18;
	v18 =	vmul.f32 v25, v14;
	v37 =	vsub.f32 $1.000000000e+00, v31;
	v25 =	vpop (erf)  }
0x66: {  	v14 =	vmul.f32 v21, v14;
	v35 =	vld [tilespmem:s21+$0x0];
	[tilespmem:s18+$0x14000] =	vst v22;
	v21 =	vsub.f32 $1.000000000e+00, v25;
	v22 =	vmul.f32 v31, v13;
	v31 =	vpop (erf)  }
0x67: {  	v26 =	vsub.f32 v29, v26;
	v36 =	vld [tilespmem:s21+$0x800];
	[tilespmem:s18+$0x14800] =	vst v17;
	v17 =	vsub.f32 $1.000000000e+00, v31;
	v13 =	vmul.f32 v37, v13;
	v20 =	vpop (erf)  }
0x68: {  	v29 =	vld [tilespmem:s21+$0x1000];
	v27 =	vsub.f32 v32, v27;
	[tilespmem:s18+$0x12010] =	vst v24;
	v24 =	vmul.f32 v25, v12;
	v25 =	vsub.f32 $1.000000000e+00, v20;
	v32 =	vpop (erf)  }
0x69: {  	v26 =	vmul.f32 $1.442695020e+00, v26;
	v12 =	vmul.f32 v21, v12;
	v37 =	vld [tilespmem:s21+$0x1800];
	[tilespmem:s18+$0x12810] =	vst v16;
	v16 =	vsub.f32 $1.000000000e+00, v32  }
0x6a: {  	v21 =	vld [tilespmem:s21+$0x2000];
	v27 =	vmul.f32 $1.442695020e+00, v27;
	v33 =	vsub.f32 v34, v33;
	[tilespmem:s18+$0x13010] =	vst v23;
	v23 =	vmul.f32 v31, v11;
	v31 =	vpop (erf)  }
0x6b: {  	v11 =	vmul.f32 v17, v11;
	v34 =	vld [tilespmem:s21+$0x2800];
	(erf) = vpow2.f32 v26;
	[tilespmem:s18+$0x13810] =	vst v15;
	v15 =	vsub.f32 $1.000000000e+00, v31  }
0x6c: {  	v17 =	vsub.f32 v36, v35;
	v26 =	vld [tilespmem:s21+$0x10];
	v33 =	vmul.f32 $1.442695020e+00, v33;
	(erf) = vpow2.f32 v27;
	[tilespmem:s18+$0x14010] =	vst v18  }
0x6d: {  	v18 =	vld [tilespmem:s21+$0x810];
	[tilespmem:s18+$0x14810] =	vst v14;
	v14 =	vmul.f32 v32, v10;
	v10 =	vmul.f32 v16, v10  }
0x6e: {  	v16 =	vmul.f32 $1.442695020e+00, v17;
	v17 =	vsub.f32 v37, v29;
	v27 =	vld [tilespmem:s21+$0x1010];
	(erf) = vpow2.f32 v33;
	[tilespmem:s18+$0x12020] =	vst v22  }
0x6f: {  	v22 =	vld [tilespmem:s21+$0x1810];
	[tilespmem:s18+$0x12820] =	vst v13;
	v13 =	vmul.f32 v31, v3;
	v3 =	vmul.f32 v15, v3  }
0x70: {  	v15 =	vmul.f32 $1.442695020e+00, v17;
	v17 =	vsub.f32 v34, v21;
	v21 =	vld [tilespmem:s21+$0x2010];
	(erf) = vpow2.f32 v16;
	[tilespmem:s18+$0x13020] =	vst v24  }
0x71: {  	v7 =	vmul.f32 v7, v2;
	v0 =	vmul.f32 v0, v1;
	v16 =	vld [tilespmem:s21+$0x2810];
	[tilespmem:s18+$0x13820] =	vst v12  }
0x72: {  	v24 =	vmul.f32 $1.442695020e+00, v17;
	v12 =	vsub.f32 v18, v26;
	v17 =	vld [tilespmem:s21+$0x20];
	(erf) = vpow2.f32 v15;
	[tilespmem:s18+$0x14020] =	vst v23  }
0x73: {  	v2 =	vmul.f32 v6, v2;
	v6 =	vmul.f32 v19, v9;
	v15 =	vld [tilespmem:s21+$0x820];
	[tilespmem:s18+$0x14820] =	vst v11  }
0x74: {  	v11 =	vmul.f32 $1.442695020e+00, v12;
	v12 =	vsub.f32 v22, v27;
	v18 =	vld [tilespmem:s21+$0x1020];
	(erf) = vpow2.f32 v24;
	v1 =	vpop (erf);
	[tilespmem:s18+$0x12030] =	vst v14  }
0x75: {  	v5 =	vmul.f32 v5, v9;
	v9 =	vmul.f32 v28, v8;
	v14 =	vld [tilespmem:s21+$0x1820];
	v22 =	vadd.f32 $1.000000000e+00, v1;
	v19 =	vpop (erf);
	[tilespmem:s18+$0x12830] =	vst v10  }
0x76: {  	v10 =	vmul.f32 $1.442695020e+00, v12;
	v12 =	vsub.f32 v16, v21;
	v16 =	vld [tilespmem:s21+$0x2020];
	v19 =	vadd.f32 $1.000000000e+00, v19;
	[tilespmem:s18+$0x13030] =	vst v13  }
0x77: {  	v8 =	vmul.f32 v30, v8;
	v13 =	vld [tilespmem:s21+$0x2820];
	(erf) = vrcp.f32 v22;
	v1 =	vpop (erf);
	[tilespmem:s18+$0x13830] =	vst v3  }
0x78: {  	v3 =	vsub.f32 v15, v17;
	v15 =	vld [tilespmem:s21+$0x1030];
	v1 =	vadd.f32 $1.000000000e+00, v1;
	(erf) = vrcp.f32 v19;
	[tilespmem:s18+$0x14030] =	vst v0  }
0x79: {  	v0 =	vmul.f32 $1.442695020e+00, v12;
	v12 =	vld [tilespmem:s21+$0x1830];
	v17 =	vpop (erf);
	(erf) = vpow2.f32 v11;
	[tilespmem:s18+$0x11000] =	vst v7  }
0x7a: {  	v7 =	vld [tilespmem:s21+$0x3000];
	v3 =	vmul.f32 $1.442695020e+00, v3;
	v11 =	vsub.f32 v14, v18;
	(erf) = vrcp.f32 v1;
	[tilespmem:s18+$0x11800] =	vst v2  }
0x7b: {  	v2 =	vadd.f32 $1.000000000e+00, v17;
	v1 =	vld [tilespmem:s21+$0x3800];
	v14 =	vpop (erf);
	(erf) = vpow2.f32 v10;
	[tilespmem:s18+$0x11010] =	vst v6;
	v6 =	vmul.f32 v20, v4  }
0x7c: {  	v10 =	vld [tilespmem:s21+$0x4000];
	v11 =	vmul.f32 $1.442695020e+00, v11;
	v13 =	vsub.f32 v13, v16;
	(erf) = vpow2.f32 v0;
	[tilespmem:s18+$0x11810] =	vst v5  }
0x7d: {  	v5 =	vadd.f32 $1.000000000e+00, v14;
	v0 =	vld [tilespmem:s21+$0x4800];
	v14 =	vpop (erf);
	(erf) = vpow2.f32 v3;
	[tilespmem:s18+$0x11020] =	vst v9;
	v3 =	vmul.f32 v25, v4  }
0x7e: {  	v9 =	vld [tilespmem:s21+$0x5000];
	v13 =	vmul.f32 $1.442695020e+00, v13;
	v12 =	vsub.f32 v12, v15;
	(erf) = vpow2.f32 v11;
	[tilespmem:s18+$0x11820] =	vst v8  }
0x7f: {  	v11 =	vadd.f32 $1.000000000e+00, v14;
	v8 =	vld [tilespmem:s21+$0x5800];
	(erf) = vrcp.f32 v2;
	[tilespmem:s18+$0x11030] =	vst v6  }
0x80: {  	v2 =	vld [tilespmem:s21+$0x6000];
	v1 =	vsub.f32 v1, v7;
	v6 =	vmul.f32 $1.442695020e+00, v12;
	(erf) = vpow2.f32 v13;
	v4 =	vpop (erf);
	[tilespmem:s18+$0x11830] =	vst v3;
	s18 =	smov.u32 s21  }
0x81: {  	v3 =	vld [tilespmem:s18+$0x6800];
	[tilespmem:s18+$0xE030] =	vst v4;
	(erf) = vrcp.f32 v5;
	v7 =	vpop (erf)  }
0x82: {  	v12 =	vsub.f32 $1.000000000e+00, v4;
	v5 =	vld [tilespmem:s18+$0x3010];
	v17 =	vsub.f32 $1.000000000e+00, v7;
	v14 =	vpop (erf);
	(erf) = vpow2.f32 v6  }
0x83: {  	v19 =	vmul.f32 $1.442695020e+00, v1;
	v10 =	vsub.f32 v0, v10;
	v15 =	vld [tilespmem:s18+$0x3810];
	v14 =	vadd.f32 $1.000000000e+00, v14;
	v0 =	vpop (erf)  }
0x84: {  	v8 =	vsub.f32 v8, v9;
	v9 =	vld [tilespmem:s18+$0x4010];
	v16 =	vsub.f32 $1.000000000e+00, v0;
	v1 =	vmul.f32 v17, v12;
	[tilespmem:s18+$0xE830] =	vst v12;
	v13 =	vpop (erf)  }
0x85: {  	v21 =	vmul.f32 $1.442695020e+00, v10;
	v17 =	vld [tilespmem:s18+$0x4810];
	v13 =	vadd.f32 $1.000000000e+00, v13;
	(erf) = vpow2.f32 v19;
	v6 =	vpop (erf)  }
0x86: {  	v8 =	vmul.f32 $1.442695020e+00, v8;
	v2 =	vsub.f32 v3, v2;
	v3 =	vld [tilespmem:s18+$0x5010];
	v16 =	vmul.f32 v16, v1;
	[tilespmem:s18+$0x10830] =	vst v1;
	v18 =	vpop (erf)  }
0x87: {  	v20 =	vadd.f32 $1.000000000e+00, v6;
	v19 =	vld [tilespmem:s18+$0x5810];
	v18 =	vadd.f32 $1.000000000e+00, v18;
	(erf) = vpow2.f32 v21;
	v10 =	vpop (erf)  }
0x88: {  	v2 =	vmul.f32 $1.442695020e+00, v2;
	v21 =	vld [tilespmem:s18+$0x6010];
	v5 =	vsub.f32 v15, v5;
	[tilespmem:s18+$0x14830] =	vst v16;
	v15 =	vpop (erf);
	(erf) = vpow2.f32 v8  }
0x89: {  	v10 =	vadd.f32 $1.000000000e+00, v10;
	v6 =	vsub.f32 $1.000000000e+00, v15;
	[tilespmem:s18+$0xE000] =	vst v15;
	v8 =	vld [tilespmem:s18+$0x6810];
	(erf) = vrcp.f32 v11;
	v11 =	vpop (erf)  }
0x8a: {  	v5 =	vmul.f32 $1.442695020e+00, v5;
	v9 =	vsub.f32 v17, v9;
	v16 =	vld [tilespmem:s18+$0x3020];
	v17 =	vpop (erf);
	(erf) = vpow2.f32 v2  }
0x8b: {  	v11 =	vadd.f32 $1.000000000e+00, v11;
	v2 =	vsub.f32 $1.000000000e+00, v17;
	[tilespmem:s18+$0xE800] =	vst v6;
	v22 =	vld [tilespmem:s18+$0x3820];
	(erf) = vrcp.f32 v14;
	v14 =	vpop (erf)  }
0x8c: {  	v9 =	vmul.f32 $1.442695020e+00, v9;
	v24 =	vsub.f32 v19, v3;
	v19 =	vld [tilespmem:s18+$0x4020];
	(erf) = vpow2.f32 v5  }
0x8d: {  	v14 =	vadd.f32 $1.000000000e+00, v14;
	v5 =	vmul.f32 v2, v15;
	v23 =	vld [tilespmem:s18+$0x4820];
	(erf) = vrcp.f32 v13  }
0x8e: {  	v2 =	vmul.f32 $1.442695020e+00, v24;
	v8 =	vsub.f32 v8, v21;
	v13 =	vld [tilespmem:s18+$0x5020];
	v3 =	vpop (erf);
	(erf) = vpow2.f32 v9  }
0x8f: {  	v9 =	vadd.f32 $1.000000000e+00, v3;
	[tilespmem:s18+$0xF800] =	vst v5;
	v21 =	vld [tilespmem:s18+$0x5820];
	v3 =	vmul.f32 v7, v12;
	(erf) = vrcp.f32 v20  }
0x90: {  	v7 =	vmul.f32 $1.442695020e+00, v8;
	v8 =	vld [tilespmem:s18+$0x6020];
	v12 =	vsub.f32 v22, v16;
	v16 =	vpop (erf);
	(erf) = vpow2.f32 v2  }
0x91: {  	v2 =	vmul.f32 v17, v15;
	v16 =	vadd.f32 $1.000000000e+00, v16;
	v15 =	vld [tilespmem:s18+$0x6820];
	[tilespmem:s18+$0x10030] =	vst v3;
	v17 =	vpop (erf);
	(erf) = vrcp.f32 v18  }
0x92: {  	v12 =	vmul.f32 $1.442695020e+00, v12;
	v18 =	vsub.f32 v23, v19;
	v19 =	vld [tilespmem:s18+$0x3030];
	v20 =	vpop (erf);
	(erf) = vpow2.f32 v7  }
0x93: {  	v17 =	vadd.f32 $1.000000000e+00, v17;
	v7 =	vsub.f32 $1.000000000e+00, v20;
	[tilespmem:s18+$0xF000] =	vst v2;
	v22 =	vld [tilespmem:s18+$0x3830];
	v23 =	vpop (erf);
	(erf) = vrcp.f32 v10  }
0x94: {  	v10 =	vmul.f32 $1.442695020e+00, v18;
	v13 =	vsub.f32 v21, v13;
	v18 =	vld [tilespmem:s18+$0x4030];
	v24 =	vpop (erf);
	(erf) = vpow2.f32 v12  }
0x95: {  	v12 =	vadd.f32 $1.000000000e+00, v23;
	v21 =	vsub.f32 $1.000000000e+00, v24;
	[tilespmem:s18+$0xE010] =	vst v24;
	v23 =	vld [tilespmem:s18+$0x4830];
	v25 =	vpop (erf);
	(erf) = vrcp.f32 v11  }
0x96: {  	v11 =	vmul.f32 $1.442695020e+00, v13;
	v8 =	vsub.f32 v15, v8;
	v13 =	vld [tilespmem:s18+$0x5030];
	v26 =	vpop (erf);
	(erf) = vpow2.f32 v10  }
0x97: {  	v15 =	vadd.f32 $1.000000000e+00, v25;
	v10 =	vsub.f32 $1.000000000e+00, v26;
	[tilespmem:s18+$0xE810] =	vst v21;
	v25 =	vld [tilespmem:s18+$0x5830];
	v27 =	vpop (erf);
	(erf) = vrcp.f32 v14  }
0x98: {  	v8 =	vmul.f32 $1.442695020e+00, v8;
	v14 =	vsub.f32 v22, v19;
	v22 =	vpop (erf);
	(erf) = vpow2.f32 v11  }
0x99: {  	v27 =	vadd.f32 $1.000000000e+00, v27;
	v11 =	vsub.f32 $1.000000000e+00, v22;
	(erf) = vrcp.f32 v9;
	v9 =	vpop (erf)  }
0x9a: {  	v19 =	vmul.f32 $1.442695020e+00, v14;
	v18 =	vsub.f32 v23, v18;
	v28 =	vpop (erf);
	(erf) = vpow2.f32 v8  }
0x9b: {  	v8 =	vadd.f32 $1.000000000e+00, v9;
	v9 =	vsub.f32 $1.000000000e+00, v28;
	[tilespmem:s18+$0xE020] =	vst v28;
	(erf) = vrcp.f32 v16;
	v16 =	vpop (erf)  }
0x9c: {  	v18 =	vmul.f32 $1.442695020e+00, v18;
	v13 =	vsub.f32 v25, v13;
	v29 =	vpop (erf);
	(erf) = vpow2.f32 v19  }
0x9d: {  	v23 =	vadd.f32 $1.000000000e+00, v16;
	v25 =	vsub.f32 $1.000000000e+00, v29;
	[tilespmem:s18+$0xE820] =	vst v9;
	(erf) = vrcp.f32 v17;
	v14 =	vpop (erf)  }
0x9e: {  	v30 =	vadd.f32 $1.000000000e+00, v14;
	v13 =	vmul.f32 $1.442695020e+00, v13;
	v31 =	vpop (erf);
	(erf) = vpow2.f32 v18  }
0x9f: {  	v18 =	vmul.f32 v20, v6;
	v32 =	vsub.f32 $1.000000000e+00, v31;
	(erf) = vrcp.f32 v12;
	v12 =	vpop (erf)  }
0xa0: {  	v17 =	vmul.f32 v7, v6;
	v33 =	vadd.f32 $1.000000000e+00, v12;
	v19 =	vpop (erf);
	(erf) = vpow2.f32 v13  }
0xa1: {  	v16 =	vmul.f32 v10, v24;
	[tilespmem:s18+$0x10000] =	vst v18;
	v10 =	vsub.f32 $1.000000000e+00, v19;
	(erf) = vrcp.f32 v15;
	v6 =	vpop (erf)  }
0xa2: {  	v15 =	vmul.f32 v22, v21;
	[tilespmem:s18+$0x10800] =	vst v17;
	v34 =	vadd.f32 $1.000000000e+00, v6;
	v7 =	vpop (erf);
	(erf) = vrcp.f32 v27  }
0xa3: {  	v14 =	vmul.f32 v11, v21;
	v6 =	vsub.f32 $1.000000000e+00, v7;
	[tilespmem:s18+$0xF810] =	vst v16;
	(erf) = vrcp.f32 v8;
	v8 =	vpop (erf)  }
0xa4: {  	v13 =	vmul.f32 v25, v28;
	[tilespmem:s18+$0x10010] =	vst v15;
	v8 =	vadd.f32 $1.000000000e+00, v8;
	v20 =	vpop (erf);
	(erf) = vrcp.f32 v23  }
.Ltmp0:
0xa5: {  	v12 =	vmul.f32 v31, v9;
	v21 =	vsub.f32 $1.000000000e+00, v20;
	[tilespmem:s18+$0x10810] =	vst v14;
	(erf) = vrcp.f32 v30;
	v22 =	vpop (erf);
	(pc) =	sbr.rel @p0 .LBB2_2-.Ltmp0, $4  }
0xa6: {  	v11 =	vmul.f32 v32, v9;
	[tilespmem:s18+$0xF820] =	vst v13;
	v30 =	vadd.f32 $1.000000000e+00, v22;
	v23 =	vpop (erf);
	(erf) = vrcp.f32 v33  }
0xa7: {  	v10 =	vmul.f32 v10, v4;
	v22 =	vsub.f32 $1.000000000e+00, v23;
	[tilespmem:s18+$0x10020] =	vst v12;
	(erf) = vrcp.f32 v34;
	v25 =	vpop (erf)  }
0xa8: {  	v9 =	vmul.f32 v26, v24;
	[tilespmem:s18+$0x10820] =	vst v11;
	v26 =	vadd.f32 $1.000000000e+00, v25;
	v25 =	vpop (erf);
	(erf) = vrcp.f32 v8  }
0xa9: {  	s20 =	sadd.s32 $0x100, s20;
	v8 =	vmul.f32 v29, v28;
	v24 =	vsub.f32 $1.000000000e+00, v25;
	[tilespmem:s18+$0xF830] =	vst v10;
	(erf) = vrcp.f32 v30;
	v27 =	vpop (erf)  }
0xaa: {  	[tilespmem:s18+$0xF010] =	vst v9;
	v4 =	vmul.f32 v19, v4  }
0xab: {  	v19 =	vmul.f32 v20, v5;
	[tilespmem:s18+$0xF020] =	vst v8  }
0xac: {  	v5 =	vmul.f32 v21, v5;
	[tilespmem:s18+$0xF030] =	vst v4  }
0xad: {  	v20 =	vmul.f32 v23, v18;
	[tilespmem:s18+$0x12000] =	vst v19  }
0xae: {  	v18 =	vmul.f32 v22, v18;
	[tilespmem:s18+$0x12800] =	vst v5  }
0xaf: {  	v21 =	vmul.f32 v25, v17;
	[tilespmem:s18+$0x13000] =	vst v20  }
0xb0: {  	v0 =	vmul.f32 v0, v1;
	[tilespmem:s18+$0x13800] =	vst v18;
	v19 =	vpop (erf)  }
0xb1: {  	v1 =	vmul.f32 v7, v2;
	[tilespmem:s18+$0x14000] =	vst v21;
	v5 =	vpop (erf)  }
0xb2: {  	v2 =	vmul.f32 v6, v2;
	v17 =	vmul.f32 v24, v17;
	[tilespmem:s18+$0x14030] =	vst v0;
	v20 =	vsub.f32 $1.000000000e+00, v5  }
0xb3: {  	v18 =	vadd.f32 $1.000000000e+00, v27;
	[tilespmem:s18+$0x11000] =	vst v1;
	v0 =	vmul.f32 v19, v9  }
0xb4: {  	[tilespmem:s18+$0x11800] =	vst v2;
	v5 =	vmul.f32 v5, v16;
	v16 =	vmul.f32 v20, v16  }
0xb5: {  	[tilespmem:s18+$0x14800] =	vst v17;
	v22 =	vpop (erf)  }
0xb6: {  	(erf) = vrcp.f32 v26;
	v21 =	vsub.f32 $1.000000000e+00, v22;
	v17 =	vpop (erf);
	[tilespmem:s18+$0x11010] =	vst v0  }
0xb7: {  	(erf) = vrcp.f32 v18;
	v20 =	vmul.f32 v22, v15;
	[tilespmem:s18+$0x12010] =	vst v5;
	v5 =	vsub.f32 $1.000000000e+00, v17;
	v18 =	vpop (erf)  }
0xb8: {  	v15 =	vmul.f32 v21, v15;
	[tilespmem:s18+$0x12810] =	vst v16;
	v16 =	vpop (erf)  }
0xb9: {  	v17 =	vmul.f32 v17, v14;
	[tilespmem:s18+$0x13010] =	vst v20;
	v5 =	vmul.f32 v5, v14;
	v20 =	vsub.f32 $1.000000000e+00, v16;
	v14 =	vpop (erf)  }
0xba: {  	v2 =	vmul.f32 v18, v8;
	[tilespmem:s18+$0x13810] =	vst v15;
	v15 =	vmul.f32 v16, v13;
	v16 =	vsub.f32 $1.000000000e+00, v14  }
0xbb: {  	[tilespmem:s18+$0x14010] =	vst v17;
	v13 =	vmul.f32 v20, v13  }
0xbc: {  	[tilespmem:s18+$0x11020] =	vst v2;
	v14 =	vmul.f32 v14, v12;
	v12 =	vmul.f32 v16, v12  }
0xbd: {  	[tilespmem:s18+$0x14810] =	vst v5;
	v5 =	vpop (erf)  }
0xbe: {  	v1 =	vsub.f32 $1.000000000e+00, v18;
	[tilespmem:s18+$0x12020] =	vst v15;
	v17 =	vpop (erf)  }
0xbf: {  	v15 =	vsub.f32 $1.000000000e+00, v5;
	v5 =	vmul.f32 v5, v11;
	[tilespmem:s18+$0x12820] =	vst v13;
	v13 =	vpop (erf)  }
0xc0: {  	v1 =	vmul.f32 v1, v8;
	[tilespmem:s18+$0x13820] =	vst v12;
	v12 =	vpop (erf)  }
0xc1: {  	v11 =	vmul.f32 v15, v11;
	[tilespmem:s18+$0x14020] =	vst v5;
	v5 =	vsub.f32 $1.000000000e+00, v12  }
0xc2: {  	[tilespmem:s18+$0x11820] =	vst v1;
	v0 =	vsub.f32 $1.000000000e+00, v17  }
0xc3: {  	[tilespmem:s18+$0x14820] =	vst v11;
	v11 =	vmul.f32 v12, v3;
	v3 =	vmul.f32 v5, v3  }
0xc4: {  	[tilespmem:s18+$0x13020] =	vst v14;
	v0 =	vmul.f32 v0, v4  }
0xc5: {  	v14 =	vsub.f32 $1.000000000e+00, v13;
	v13 =	vmul.f32 v13, v10;
	[tilespmem:s18+$0x13830] =	vst v3;
	v3 =	vsub.f32 $1.000000000e+00, v19  }
0xc6: {  	[tilespmem:s18+$0x11830] =	vst v0  }
0xc7: {  	[tilespmem:s18+$0x12030] =	vst v13;
	v3 =	vmul.f32 v3, v9  }
0xc8: {  	v10 =	vmul.f32 v14, v10;
	[tilespmem:s18+$0x13030] =	vst v11  }
0xc9: {  	[tilespmem:s18+$0x11810] =	vst v3;
	v3 =	vmul.f32 v17, v4  }
0xca: {  	[tilespmem:s18+$0x12830] =	vst v10  }
0xcb: {  	[tilespmem:s18+$0x11030] =	vst v3  }
0xcc: {  	[hbm4b:s5+s8] =	stream.strided.scatter [tilespmem:s12], [sflag:$0x3], $0x7000, s9, s8, $0x38;
	[tilespmem:$0x1C000] =	vst v63  }
0xcd: {  	_ =	swait.ge [sflag:s13], $0x7000  }
0xce: {  	[sflag:s13] =	ssyncset.done $0x0  }
0xcf: {  	s18 =	simm.s32 $0x0;
	[sflag:s13] =	ssyncadd.s32 $0xFFFF9000  }
0xd0: {  	v0 =	vld [tilespmem:s18+$0x7030]  }
0xd1: {  	v1 =	vld [tilespmem:s18+$0x7830]  }
0xd2: {  	v2 =	vld [tilespmem:s18+$0x9030]  }
0xd3: {  	v3 =	vld [tilespmem:s18+$0x9830]  }
0xd4: {  	v4 =	vld [tilespmem:s18+$0xD030]  }
0xd5: {  	v5 =	vld [tilespmem:s18+$0xD830]  }
0xd6: {  	v6 =	vld [tilespmem:s18+$0x7000]  }
0xd7: {  	v7 =	vld [tilespmem:s18+$0x7800];
	v0 =	vsub.f32 v1, v0  }
0xd8: {  	v8 =	vld [tilespmem:s18+$0x9000]  }
0xd9: {  	v9 =	vld [tilespmem:s18+$0x8010];
	v0 =	vmul.f32 $1.442695020e+00, v0  }
0xda: {  	v1 =	vld [tilespmem:s18+$0x8000];
	v2 =	vsub.f32 v3, v2  }
0xdb: {  	v3 =	vld [tilespmem:s18+$0x8800];
	(erf) = vpow2.f32 v0  }
0xdc: {  	v10 =	vld [tilespmem:s18+$0x8020];
	v4 =	vsub.f32 v5, v4;
	v2 =	vmul.f32 $1.442695020e+00, v2  }
0xdd: {  	v5 =	vld [tilespmem:s18+$0x9800]  }
0xde: {  	v4 =	vmul.f32 $1.442695020e+00, v4;
	v0 =	vld [tilespmem:s18+$0x7010];
	(erf) = vpow2.f32 v2  }
0xdf: {  	v2 =	vld [tilespmem:s18+$0x7810]  }
0xe0: {  	v1 =	vsub.f32 v3, v1;
	v3 =	vld [tilespmem:s18+$0x9810];
	(erf) = vpow2.f32 v4;
	v4 =	vsub.f32 v7, v6  }
0xe1: {  	v6 =	vld [tilespmem:s18+$0x8810]  }
0xe2: {  	v5 =	vsub.f32 v5, v8;
	v8 =	vld [tilespmem:s18+$0x7020];
	v4 =	vmul.f32 $1.442695020e+00, v4  }
0xe3: {  	v7 =	vld [tilespmem:s18+$0x9010];
	v1 =	vmul.f32 $1.442695020e+00, v1  }
0xe4: {  	v5 =	vmul.f32 $1.442695020e+00, v5;
	(erf) = vpow2.f32 v4;
	v4 =	vld [tilespmem:s18+$0x7820];
	v11 =	vpop (erf)  }
0xe5: {  	v0 =	vsub.f32 v2, v0;
	(erf) = vpow2.f32 v1;
	v1 =	vld [tilespmem:s18+$0x8820];
	v2 =	vadd.f32 $1.000000000e+00, v11  }
0xe6: {  	v6 =	vsub.f32 v6, v9;
	v9 =	vld [tilespmem:s18+$0x9820]  }
0xe7: {  	(erf) = vpow2.f32 v5;
	v5 =	vld [tilespmem:s18+$0x9020];
	v11 =	vpop (erf)  }
0xe8: {  	v3 =	vsub.f32 v3, v7;
	v7 =	vld [tilespmem:s18+$0x8030];
	v0 =	vmul.f32 $1.442695020e+00, v0;
	v11 =	vadd.f32 $1.000000000e+00, v11  }
0xe9: {  	v6 =	vmul.f32 $1.442695020e+00, v6;
	v4 =	vsub.f32 v4, v8;
	v8 =	vld [tilespmem:s18+$0x8830];
	(erf) = vrcp.f32 v2;
	v2 =	vpop (erf)  }
0xea: {  	v1 =	vsub.f32 v1, v10;
	v10 =	vld [tilespmem:s18+$0xA800];
	(erf) = vrcp.f32 v11;
	v2 =	vadd.f32 $1.000000000e+00, v2  }
0xeb: {  	(erf) = vpow2.f32 v0;
	v0 =	vmul.f32 $1.442695020e+00, v3;
	v3 =	vld [tilespmem:s18+$0xA000]  }
0xec: {  	v12 =	vld [tilespmem:s18+$0xA010];
	v5 =	vsub.f32 v9, v5;
	(erf) = vrcp.f32 v2;
	v2 =	vmul.f32 $1.442695020e+00, v4  }
0xed: {  	v9 =	vld [tilespmem:s18+$0xB800];
	v1 =	vmul.f32 $1.442695020e+00, v1;
	v4 =	vpop (erf);
	(erf) = vpow2.f32 v6  }
0xee: {  	v6 =	vld [tilespmem:s18+$0xB000];
	(erf) = vpow2.f32 v0;
	v0 =	vadd.f32 $1.000000000e+00, v4;
	v4 =	vmul.f32 $1.442695020e+00, v5  }
0xef: {  	v11 =	vld [tilespmem:s18+$0xC000];
	v5 =	vsub.f32 v8, v7;
	(erf) = vpow2.f32 v2  }
0xf0: {  	v7 =	vld [tilespmem:s18+$0xC800];
	v3 =	vsub.f32 v10, v3;
	v2 =	vpop (erf);
	(erf) = vpow2.f32 v1  }
0xf1: {  	v8 =	vld [tilespmem:s18+$0xD000];
	v1 =	vadd.f32 $1.000000000e+00, v2;
	v2 =	vpop (erf);
	(erf) = vrcp.f32 v0;
	v0 =	vmul.f32 $1.442695020e+00, v5  }
0xf2: {  	v5 =	vld [tilespmem:s18+$0xD800];
	(erf) = vpow2.f32 v4;
	v4 =	vpop (erf)  }
0xf3: {  	v3 =	vmul.f32 $1.442695020e+00, v3;
	v6 =	vsub.f32 v9, v6;
	v9 =	vld [tilespmem:s18+$0xA810];
	v10 =	vpop (erf)  }
0xf4: {  	v17 =	vld [tilespmem:s18+$0xB810];
	v2 =	vadd.f32 $1.000000000e+00, v2;
	(erf) = vrcp.f32 v1;
	v13 =	vsub.f32 $1.000000000e+00, v4;
	v14 =	vpop (erf)  }
0xf5: {  	v19 =	vld [tilespmem:s18+$0xC810];
	v7 =	vsub.f32 v7, v11;
	v1 =	vsub.f32 $1.000000000e+00, v10;
	(erf) = vpow2.f32 v0;
	v0 =	vpop (erf)  }
0xf6: {  	v11 =	vld [tilespmem:s18+$0xB010];
	v6 =	vmul.f32 $1.442695020e+00, v6;
	v14 =	vadd.f32 $1.000000000e+00, v14;
	(erf) = vpow2.f32 v3;
	v16 =	vpop (erf)  }
0xf7: {  	v21 =	vld [tilespmem:s18+$0xD810];
	v7 =	vmul.f32 $1.442695020e+00, v7;
	v15 =	vsub.f32 $1.000000000e+00, v0;
	v5 =	vsub.f32 v5, v8;
	v3 =	vpop (erf)  }
0xf8: {  	v1 =	vmul.f32 v1, v13;
	v8 =	vld [tilespmem:s18+$0xC010];
	(erf) = vpow2.f32 v6;
	v9 =	vsub.f32 v9, v12;
	v18 =	vpop (erf)  }
0xf9: {  	v6 =	vld [tilespmem:s18+$0xD010];
	v20 =	vadd.f32 $1.000000000e+00, v3;
	v5 =	vmul.f32 $1.442695020e+00, v5;
	(erf) = vpow2.f32 v7;
	v3 =	vpop (erf)  }
0xfa: {  	v23 =	vld [tilespmem:s18+$0xA820];
	v16 =	vadd.f32 $1.000000000e+00, v16;
	(erf) = vrcp.f32 v2;
	v22 =	vadd.f32 $1.000000000e+00, v3  }
0xfb: {  	v27 =	vld [tilespmem:s18+$0xC830];
	v12 =	vpop (erf);
	v3 =	vmul.f32 $1.442695020e+00, v9;
	v9 =	vsub.f32 v17, v11;
	(erf) = vpow2.f32 v5  }
0xfc: {  	v15 =	vmul.f32 v15, v1;
	v18 =	vadd.f32 $1.000000000e+00, v18;
	v11 =	vld [tilespmem:s18+$0xA020];
	v2 =	vpop (erf);
	(erf) = vrcp.f32 v14  }
0xfd: {  	v8 =	vsub.f32 v19, v8;
	v14 =	vld [tilespmem:s18+$0xB020];
	v17 =	vpop (erf);
	v24 =	vadd.f32 $1.000000000e+00, v2;
	v9 =	vmul.f32 $1.442695020e+00, v9  }
0xfe: {  	v19 =	vld [tilespmem:s18+$0xB820];
	(erf) = vpow2.f32 v3;
	v6 =	vsub.f32 v21, v6;
	v5 =	vsub.f32 $1.000000000e+00, v17;
	v2 =	vpop (erf)  }
0xff: {  	(erf) = vrcp.f32 v16;
	v16 =	vld [tilespmem:s18+$0xC820];
	v25 =	vadd.f32 $1.000000000e+00, v2;
	v2 =	vmul.f32 $1.442695020e+00, v8  }
0x100: {  	v7 =	vsub.f32 $1.000000000e+00, v12;
	v8 =	vld [tilespmem:s18+$0xC020];
	v3 =	vpop (erf);
	(erf) = vpow2.f32 v9;
	v6 =	vmul.f32 $1.442695020e+00, v6  }
0x101: {  	[tilespmem:s18+$0x1B830] =	vst v15;
	v15 =	vld [tilespmem:s18+$0xD820];
	v5 =	vmul.f32 v5, v12;
	v9 =	vadd.f32 $1.000000000e+00, v3;
	(erf) = vrcp.f32 v20  }
0x102: {  	[tilespmem:s18+$0x15830] =	vst v13;
	v3 =	vmul.f32 v10, v13;
	v10 =	vld [tilespmem:s18+$0xD020];
	v11 =	vsub.f32 v23, v11;
	v13 =	vpop (erf);
	(erf) = vpow2.f32 v2  }
0x103: {  	v20 =	vld [tilespmem:s18+$0xA830];
	v2 =	vmul.f32 v17, v12;
	v14 =	vsub.f32 v19, v14;
	v17 =	vpop (erf);
	(erf) = vrcp.f32 v18  }
0x104: {  	v13 =	vadd.f32 $1.000000000e+00, v13;
	v11 =	vmul.f32 $1.442695020e+00, v11;
	v18 =	vld [tilespmem:s18+$0xA030];
	v19 =	vpop (erf);
	(erf) = vpow2.f32 v6  }
0x105: {  	v17 =	vadd.f32 $1.000000000e+00, v17;
	v21 =	vpop (erf);
	(erf) = vrcp.f32 v22;
	v8 =	vsub.f32 v16, v8;
	v16 =	vld [tilespmem:s18+$0xB030]  }
0x106: {  	v14 =	vmul.f32 $1.442695020e+00, v14;
	v6 =	vsub.f32 $1.000000000e+00, v19;
	v22 =	vld [tilespmem:s18+$0xB830];
	v26 =	vpop (erf);
	(erf) = vpow2.f32 v11  }
0x107: {  	v11 =	vadd.f32 $1.000000000e+00, v21;
	v10 =	vsub.f32 v15, v10;
	v15 =	vld [tilespmem:s18+$0xC030];
	v23 =	vpop (erf);
	(erf) = vrcp.f32 v24  }
0x108: {  	[tilespmem:s18+$0x15030] =	vst v4;
	v21 =	vsub.f32 $1.000000000e+00, v26;
	v8 =	vmul.f32 $1.442695020e+00, v8;
	v24 =	vpop (erf);
	(erf) = vpow2.f32 v14  }
0x109: {  	[tilespmem:s18+$0x17830] =	vst v1;
	v23 =	vadd.f32 $1.000000000e+00, v23;
	v10 =	vmul.f32 $1.442695020e+00, v10;
	v28 =	vpop (erf);
	(erf) = vrcp.f32 v25  }
0x10a: {  	[tilespmem:s18+$0x15000] =	vst v12;
	v18 =	vsub.f32 v20, v18;
	v14 =	vsub.f32 $1.000000000e+00, v24;
	v20 =	vpop (erf);
	(erf) = vpow2.f32 v8  }
0x10b: {  	[tilespmem:s18+$0x15800] =	vst v7;
	v12 =	vadd.f32 $1.000000000e+00, v28;
	v16 =	vsub.f32 v22, v16;
	(erf) = vrcp.f32 v9;
	v9 =	vpop (erf)  }
0x10c: {  	[tilespmem:s18+$0x17030] =	vst v3;
	v18 =	vmul.f32 $1.442695020e+00, v18;
	v15 =	vsub.f32 v27, v15;
	v28 =	vpop (erf);
	(erf) = vpow2.f32 v10  }
0x10d: {  	[tilespmem:s18+$0x16800] =	vst v5;
	v8 =	vsub.f32 $1.000000000e+00, v20;
	v16 =	vmul.f32 $1.442695020e+00, v16;
	(erf) = vrcp.f32 v13;
	v13 =	vpop (erf)  }
0x10e: {  	[tilespmem:s18+$0x16000] =	vst v2;
	v10 =	vsub.f32 $1.000000000e+00, v28;
	v15 =	vmul.f32 $1.442695020e+00, v15;
	v27 =	vpop (erf);
	(erf) = vpow2.f32 v18  }
0x10f: {  	[tilespmem:s18+$0x15010] =	vst v26;
	v22 =	vadd.f32 $1.000000000e+00, v13;
	v18 =	vmul.f32 v19, v7;
	(erf) = vrcp.f32 v17;
	v17 =	vpop (erf)  }
0x110: {  	[tilespmem:s18+$0x15810] =	vst v21;
	v25 =	vadd.f32 $1.000000000e+00, v17;
	v29 =	vpop (erf);
	(erf) = vpow2.f32 v16;
	v17 =	vmul.f32 v6, v7  }
0x111: {  	[tilespmem:s18+$0x15020] =	vst v28;
	v13 =	vsub.f32 $1.000000000e+00, v27;
	v16 =	vmul.f32 v14, v26;
	(erf) = vrcp.f32 v11;
	v11 =	vpop (erf)  }
0x112: {  	v9 =	vadd.f32 $1.000000000e+00, v9;
	[tilespmem:s18+$0x15820] =	vst v10;
	v14 =	vmul.f32 v8, v21;
	v19 =	vpop (erf);
	(erf) = vpow2.f32 v15  }
0x113: {  	[tilespmem:s18+$0x17000] =	vst v18;
	v30 =	vsub.f32 $1.000000000e+00, v29;
	v13 =	vmul.f32 v13, v28;
	(erf) = vrcp.f32 v23;
	v6 =	vpop (erf)  }
0x114: {  	v31 =	vadd.f32 $1.000000000e+00, v11;
	[tilespmem:s18+$0x17800] =	vst v17;
	v15 =	vmul.f32 v20, v21;
	v7 =	vpop (erf);
	(erf) = vrcp.f32 v12  }
0x115: {  	[tilespmem:s18+$0x16810] =	vst v16;
	v32 =	vsub.f32 $1.000000000e+00, v19;
	v11 =	vmul.f32 v30, v10;
	(erf) = vrcp.f32 v9;
	v8 =	vpop (erf)  }
0x116: {  	[tilespmem:s18+$0x17810] =	vst v14;
	v33 =	vadd.f32 $1.000000000e+00, v6;
	v12 =	vmul.f32 v29, v10;
	v20 =	vpop (erf);
	(erf) = vrcp.f32 v22  }
0x117: {  	[tilespmem:s18+$0x16820] =	vst v13;
	v6 =	vsub.f32 $1.000000000e+00, v7;
	v10 =	vmul.f32 v32, v4;
	(erf) = vrcp.f32 v25;
	v9 =	vpop (erf)  }
0x118: {  	[tilespmem:s18+$0x17010] =	vst v15;
	v8 =	vadd.f32 $1.000000000e+00, v8;
	v21 =	vsub.f32 $1.000000000e+00, v20;
	v23 =	vpop (erf);
	(erf) = vrcp.f32 v31  }
0x119: {  	[tilespmem:s18+$0x17820] =	vst v11;
	v29 =	vadd.f32 $1.000000000e+00, v9;
	v9 =	vmul.f32 v24, v26;
	(erf) = vrcp.f32 v33;
	v25 =	vpop (erf)  }
0x11a: {  	[tilespmem:s18+$0x17020] =	vst v12;
	v22 =	vsub.f32 $1.000000000e+00, v23;
	v26 =	vadd.f32 $1.000000000e+00, v25;
	v25 =	vpop (erf);
	(erf) = vrcp.f32 v8  }
0x11b: {  	s19 =	simm.s32 $0x0;
	s20 =	simm.s32 $0x100;
	[tilespmem:s18+$0x16830] =	vst v10;
	v8 =	vmul.f32 v27, v28;
	v24 =	vsub.f32 $1.000000000e+00, v25;
	(erf) = vrcp.f32 v29;
	v27 =	vpop (erf)  }
.LBB2_4:
0x11c: {  	s21 =	sshra.s32 s20, $0x2;
	[tilespmem:s18+$0x16010] =	vst v9;
	v27 =	vadd.f32 $1.000000000e+00, v27;
	v4 =	vmul.f32 v19, v4;
	v19 =	vpop (erf);
	(erf) = vrcp.f32 v26  }
0x11d: {  	v20 =	vmul.f32 v20, v5;
	v21 =	vmul.f32 v21, v5;
	v26 =	vld [tilespmem:s21+$0x7030];
	v5 =	vsub.f32 $1.000000000e+00, v19;
	[tilespmem:s18+$0x16020] =	vst v8;
	v28 =	vpop (erf)  }
0x11e: {  	v23 =	vmul.f32 v23, v18;
	v29 =	vld [tilespmem:s21+$0x7830];
	v30 =	vsub.f32 $1.000000000e+00, v28;
	[tilespmem:s18+$0x16030] =	vst v4;
	v31 =	vpop (erf);
	(erf) = vrcp.f32 v27  }
0x11f: {  	s19 =	sadd.s32 $0x4, s19;
	v18 =	vmul.f32 v22, v18;
	v22 =	vmul.f32 v25, v17;
	v27 =	vld [tilespmem:s21+$0x9030];
	[tilespmem:s18+$0x19000] =	vst v20;
	v20 =	vsub.f32 $1.000000000e+00, v31;
	v25 =	vpop (erf)  }
0x120: {  	p0 =	slt.u32 s19, $0x7C;
	v17 =	vmul.f32 v24, v17;
	v24 =	vmul.f32 v28, v16;
	v32 =	vld [tilespmem:s21+$0x9830];
	[tilespmem:s18+$0x19800] =	vst v21;
	v21 =	vsub.f32 $1.000000000e+00, v25;
	v28 =	vpop (erf)  }
0x121: {  	v16 =	vmul.f32 v30, v16;
	v33 =	vld [tilespmem:s21+$0xD030];
	[tilespmem:s18+$0x1A000] =	vst v23;
	v23 =	vmul.f32 v31, v15;
	v30 =	vsub.f32 $1.000000000e+00, v28;
	v31 =	vpop (erf)  }
0x122: {  	v15 =	vmul.f32 v20, v15;
	v34 =	vld [tilespmem:s21+$0xD830];
	[tilespmem:s18+$0x1A800] =	vst v18;
	v18 =	vmul.f32 v25, v14;
	v37 =	vsub.f32 $1.000000000e+00, v31;
	v25 =	vpop (erf)  }
0x123: {  	v14 =	vmul.f32 v21, v14;
	v35 =	vld [tilespmem:s21+$0x7000];
	[tilespmem:s18+$0x1B000] =	vst v22;
	v21 =	vsub.f32 $1.000000000e+00, v25;
	v22 =	vmul.f32 v31, v13;
	v31 =	vpop (erf)  }
0x124: {  	v26 =	vsub.f32 v29, v26;
	v36 =	vld [tilespmem:s21+$0x7800];
	[tilespmem:s18+$0x1B800] =	vst v17;
	v17 =	vsub.f32 $1.000000000e+00, v31;
	v13 =	vmul.f32 v37, v13;
	v20 =	vpop (erf)  }
0x125: {  	v29 =	vld [tilespmem:s21+$0x8000];
	v27 =	vsub.f32 v32, v27;
	[tilespmem:s18+$0x19010] =	vst v24;
	v24 =	vmul.f32 v25, v12;
	v25 =	vsub.f32 $1.000000000e+00, v20;
	v32 =	vpop (erf)  }
0x126: {  	v26 =	vmul.f32 $1.442695020e+00, v26;
	v12 =	vmul.f32 v21, v12;
	v37 =	vld [tilespmem:s21+$0x8800];
	[tilespmem:s18+$0x19810] =	vst v16;
	v16 =	vsub.f32 $1.000000000e+00, v32  }
0x127: {  	v21 =	vld [tilespmem:s21+$0x9000];
	v27 =	vmul.f32 $1.442695020e+00, v27;
	v33 =	vsub.f32 v34, v33;
	[tilespmem:s18+$0x1A010] =	vst v23;
	v23 =	vmul.f32 v31, v11;
	v31 =	vpop (erf)  }
0x128: {  	v11 =	vmul.f32 v17, v11;
	v34 =	vld [tilespmem:s21+$0x9800];
	(erf) = vpow2.f32 v26;
	[tilespmem:s18+$0x1A810] =	vst v15;
	v15 =	vsub.f32 $1.000000000e+00, v31  }
0x129: {  	v17 =	vsub.f32 v36, v35;
	v26 =	vld [tilespmem:s21+$0x7010];
	v33 =	vmul.f32 $1.442695020e+00, v33;
	(erf) = vpow2.f32 v27;
	[tilespmem:s18+$0x1B010] =	vst v18  }
0x12a: {  	v18 =	vld [tilespmem:s21+$0x7810];
	[tilespmem:s18+$0x1B810] =	vst v14;
	v14 =	vmul.f32 v32, v10;
	v10 =	vmul.f32 v16, v10  }
0x12b: {  	v16 =	vmul.f32 $1.442695020e+00, v17;
	v17 =	vsub.f32 v37, v29;
	v27 =	vld [tilespmem:s21+$0x8010];
	(erf) = vpow2.f32 v33;
	[tilespmem:s18+$0x19020] =	vst v22  }
0x12c: {  	v22 =	vld [tilespmem:s21+$0x8810];
	[tilespmem:s18+$0x19820] =	vst v13;
	v13 =	vmul.f32 v31, v3;
	v3 =	vmul.f32 v15, v3  }
0x12d: {  	v15 =	vmul.f32 $1.442695020e+00, v17;
	v17 =	vsub.f32 v34, v21;
	v21 =	vld [tilespmem:s21+$0x9010];
	(erf) = vpow2.f32 v16;
	[tilespmem:s18+$0x1A020] =	vst v24  }
0x12e: {  	v7 =	vmul.f32 v7, v2;
	v0 =	vmul.f32 v0, v1;
	v16 =	vld [tilespmem:s21+$0x9810];
	[tilespmem:s18+$0x1A820] =	vst v12  }
0x12f: {  	v24 =	vmul.f32 $1.442695020e+00, v17;
	v12 =	vsub.f32 v18, v26;
	v17 =	vld [tilespmem:s21+$0x7020];
	(erf) = vpow2.f32 v15;
	[tilespmem:s18+$0x1B020] =	vst v23  }
0x130: {  	v2 =	vmul.f32 v6, v2;
	v6 =	vmul.f32 v19, v9;
	v15 =	vld [tilespmem:s21+$0x7820];
	[tilespmem:s18+$0x1B820] =	vst v11  }
0x131: {  	v11 =	vmul.f32 $1.442695020e+00, v12;
	v12 =	vsub.f32 v22, v27;
	v18 =	vld [tilespmem:s21+$0x8020];
	(erf) = vpow2.f32 v24;
	v1 =	vpop (erf);
	[tilespmem:s18+$0x19030] =	vst v14  }
0x132: {  	v5 =	vmul.f32 v5, v9;
	v9 =	vmul.f32 v28, v8;
	v14 =	vld [tilespmem:s21+$0x8820];
	v22 =	vadd.f32 $1.000000000e+00, v1;
	v19 =	vpop (erf);
	[tilespmem:s18+$0x19830] =	vst v10  }
0x133: {  	v10 =	vmul.f32 $1.442695020e+00, v12;
	v12 =	vsub.f32 v16, v21;
	v16 =	vld [tilespmem:s21+$0x9020];
	v19 =	vadd.f32 $1.000000000e+00, v19;
	[tilespmem:s18+$0x1A030] =	vst v13  }
0x134: {  	v8 =	vmul.f32 v30, v8;
	v13 =	vld [tilespmem:s21+$0x9820];
	(erf) = vrcp.f32 v22;
	v1 =	vpop (erf);
	[tilespmem:s18+$0x1A830] =	vst v3  }
0x135: {  	v3 =	vsub.f32 v15, v17;
	v15 =	vld [tilespmem:s21+$0x8030];
	v1 =	vadd.f32 $1.000000000e+00, v1;
	(erf) = vrcp.f32 v19;
	[tilespmem:s18+$0x1B030] =	vst v0  }
0x136: {  	v0 =	vmul.f32 $1.442695020e+00, v12;
	v12 =	vld [tilespmem:s21+$0x8830];
	v17 =	vpop (erf);
	(erf) = vpow2.f32 v11;
	[tilespmem:s18+$0x18000] =	vst v7  }
0x137: {  	v7 =	vld [tilespmem:s21+$0xA000];
	v3 =	vmul.f32 $1.442695020e+00, v3;
	v11 =	vsub.f32 v14, v18;
	(erf) = vrcp.f32 v1;
	[tilespmem:s18+$0x18800] =	vst v2  }
0x138: {  	v2 =	vadd.f32 $1.000000000e+00, v17;
	v1 =	vld [tilespmem:s21+$0xA800];
	v14 =	vpop (erf);
	(erf) = vpow2.f32 v10;
	[tilespmem:s18+$0x18010] =	vst v6;
	v6 =	vmul.f32 v20, v4  }
0x139: {  	v10 =	vld [tilespmem:s21+$0xB000];
	v11 =	vmul.f32 $1.442695020e+00, v11;
	v13 =	vsub.f32 v13, v16;
	(erf) = vpow2.f32 v0;
	[tilespmem:s18+$0x18810] =	vst v5  }
0x13a: {  	v5 =	vadd.f32 $1.000000000e+00, v14;
	v0 =	vld [tilespmem:s21+$0xB800];
	v14 =	vpop (erf);
	(erf) = vpow2.f32 v3;
	[tilespmem:s18+$0x18020] =	vst v9;
	v3 =	vmul.f32 v25, v4  }
0x13b: {  	v9 =	vld [tilespmem:s21+$0xC000];
	v13 =	vmul.f32 $1.442695020e+00, v13;
	v12 =	vsub.f32 v12, v15;
	(erf) = vpow2.f32 v11;
	[tilespmem:s18+$0x18820] =	vst v8  }
0x13c: {  	v11 =	vadd.f32 $1.000000000e+00, v14;
	v8 =	vld [tilespmem:s21+$0xC800];
	(erf) = vrcp.f32 v2;
	[tilespmem:s18+$0x18030] =	vst v6  }
0x13d: {  	v2 =	vld [tilespmem:s21+$0xD000];
	v1 =	vsub.f32 v1, v7;
	v6 =	vmul.f32 $1.442695020e+00, v12;
	(erf) = vpow2.f32 v13;
	v4 =	vpop (erf);
	[tilespmem:s18+$0x18830] =	vst v3;
	s18 =	smov.u32 s21  }
0x13e: {  	v3 =	vld [tilespmem:s18+$0xD800];
	[tilespmem:s18+$0x15030] =	vst v4;
	(erf) = vrcp.f32 v5;
	v7 =	vpop (erf)  }
0x13f: {  	v12 =	vsub.f32 $1.000000000e+00, v4;
	v5 =	vld [tilespmem:s18+$0xA010];
	v17 =	vsub.f32 $1.000000000e+00, v7;
	v14 =	vpop (erf);
	(erf) = vpow2.f32 v6  }
0x140: {  	v19 =	vmul.f32 $1.442695020e+00, v1;
	v10 =	vsub.f32 v0, v10;
	v15 =	vld [tilespmem:s18+$0xA810];
	v14 =	vadd.f32 $1.000000000e+00, v14;
	v0 =	vpop (erf)  }
0x141: {  	v8 =	vsub.f32 v8, v9;
	v9 =	vld [tilespmem:s18+$0xB010];
	v16 =	vsub.f32 $1.000000000e+00, v0;
	v1 =	vmul.f32 v17, v12;
	[tilespmem:s18+$0x15830] =	vst v12;
	v13 =	vpop (erf)  }
0x142: {  	v21 =	vmul.f32 $1.442695020e+00, v10;
	v17 =	vld [tilespmem:s18+$0xB810];
	v13 =	vadd.f32 $1.000000000e+00, v13;
	(erf) = vpow2.f32 v19;
	v6 =	vpop (erf)  }
0x143: {  	v8 =	vmul.f32 $1.442695020e+00, v8;
	v2 =	vsub.f32 v3, v2;
	v3 =	vld [tilespmem:s18+$0xC010];
	v16 =	vmul.f32 v16, v1;
	[tilespmem:s18+$0x17830] =	vst v1;
	v18 =	vpop (erf)  }
0x144: {  	v20 =	vadd.f32 $1.000000000e+00, v6;
	v19 =	vld [tilespmem:s18+$0xC810];
	v18 =	vadd.f32 $1.000000000e+00, v18;
	(erf) = vpow2.f32 v21;
	v10 =	vpop (erf)  }
0x145: {  	v2 =	vmul.f32 $1.442695020e+00, v2;
	v21 =	vld [tilespmem:s18+$0xD010];
	v5 =	vsub.f32 v15, v5;
	[tilespmem:s18+$0x1B830] =	vst v16;
	v15 =	vpop (erf);
	(erf) = vpow2.f32 v8  }
0x146: {  	v10 =	vadd.f32 $1.000000000e+00, v10;
	v6 =	vsub.f32 $1.000000000e+00, v15;
	[tilespmem:s18+$0x15000] =	vst v15;
	v8 =	vld [tilespmem:s18+$0xD810];
	(erf) = vrcp.f32 v11;
	v11 =	vpop (erf)  }
0x147: {  	v5 =	vmul.f32 $1.442695020e+00, v5;
	v9 =	vsub.f32 v17, v9;
	v16 =	vld [tilespmem:s18+$0xA020];
	v17 =	vpop (erf);
	(erf) = vpow2.f32 v2  }
0x148: {  	v11 =	vadd.f32 $1.000000000e+00, v11;
	v2 =	vsub.f32 $1.000000000e+00, v17;
	[tilespmem:s18+$0x15800] =	vst v6;
	v22 =	vld [tilespmem:s18+$0xA820];
	(erf) = vrcp.f32 v14;
	v14 =	vpop (erf)  }
0x149: {  	v9 =	vmul.f32 $1.442695020e+00, v9;
	v24 =	vsub.f32 v19, v3;
	v19 =	vld [tilespmem:s18+$0xB020];
	(erf) = vpow2.f32 v5  }
0x14a: {  	v14 =	vadd.f32 $1.000000000e+00, v14;
	v5 =	vmul.f32 v2, v15;
	v23 =	vld [tilespmem:s18+$0xB820];
	(erf) = vrcp.f32 v13  }
0x14b: {  	v2 =	vmul.f32 $1.442695020e+00, v24;
	v8 =	vsub.f32 v8, v21;
	v13 =	vld [tilespmem:s18+$0xC020];
	v3 =	vpop (erf);
	(erf) = vpow2.f32 v9  }
0x14c: {  	v9 =	vadd.f32 $1.000000000e+00, v3;
	[tilespmem:s18+$0x16800] =	vst v5;
	v21 =	vld [tilespmem:s18+$0xC820];
	v3 =	vmul.f32 v7, v12;
	(erf) = vrcp.f32 v20  }
0x14d: {  	v7 =	vmul.f32 $1.442695020e+00, v8;
	v8 =	vld [tilespmem:s18+$0xD020];
	v12 =	vsub.f32 v22, v16;
	v16 =	vpop (erf);
	(erf) = vpow2.f32 v2  }
0x14e: {  	v2 =	vmul.f32 v17, v15;
	v16 =	vadd.f32 $1.000000000e+00, v16;
	v15 =	vld [tilespmem:s18+$0xD820];
	[tilespmem:s18+$0x17030] =	vst v3;
	v17 =	vpop (erf);
	(erf) = vrcp.f32 v18  }
0x14f: {  	v12 =	vmul.f32 $1.442695020e+00, v12;
	v18 =	vsub.f32 v23, v19;
	v19 =	vld [tilespmem:s18+$0xA030];
	v20 =	vpop (erf);
	(erf) = vpow2.f32 v7  }
0x150: {  	v17 =	vadd.f32 $1.000000000e+00, v17;
	v7 =	vsub.f32 $1.000000000e+00, v20;
	[tilespmem:s18+$0x16000] =	vst v2;
	v22 =	vld [tilespmem:s18+$0xA830];
	v23 =	vpop (erf);
	(erf) = vrcp.f32 v10  }
0x151: {  	v10 =	vmul.f32 $1.442695020e+00, v18;
	v13 =	vsub.f32 v21, v13;
	v18 =	vld [tilespmem:s18+$0xB030];
	v24 =	vpop (erf);
	(erf) = vpow2.f32 v12  }
0x152: {  	v12 =	vadd.f32 $1.000000000e+00, v23;
	v21 =	vsub.f32 $1.000000000e+00, v24;
	[tilespmem:s18+$0x15010] =	vst v24;
	v23 =	vld [tilespmem:s18+$0xB830];
	v25 =	vpop (erf);
	(erf) = vrcp.f32 v11  }
0x153: {  	v11 =	vmul.f32 $1.442695020e+00, v13;
	v8 =	vsub.f32 v15, v8;
	v13 =	vld [tilespmem:s18+$0xC030];
	v26 =	vpop (erf);
	(erf) = vpow2.f32 v10  }
0x154: {  	v15 =	vadd.f32 $1.000000000e+00, v25;
	v10 =	vsub.f32 $1.000000000e+00, v26;
	[tilespmem:s18+$0x15810] =	vst v21;
	v25 =	vld [tilespmem:s18+$0xC830];
	v27 =	vpop (erf);
	(erf) = vrcp.f32 v14  }
0x155: {  	v8 =	vmul.f32 $1.442695020e+00, v8;
	v14 =	vsub.f32 v22, v19;
	v22 =	vpop (erf);
	(erf) = vpow2.f32 v11  }
0x156: {  	v27 =	vadd.f32 $1.000000000e+00, v27;
	v11 =	vsub.f32 $1.000000000e+00, v22;
	(erf) = vrcp.f32 v9;
	v9 =	vpop (erf)  }
0x157: {  	v19 =	vmul.f32 $1.442695020e+00, v14;
	v18 =	vsub.f32 v23, v18;
	v28 =	vpop (erf);
	(erf) = vpow2.f32 v8  }
0x158: {  	v8 =	vadd.f32 $1.000000000e+00, v9;
	v9 =	vsub.f32 $1.000000000e+00, v28;
	[tilespmem:s18+$0x15020] =	vst v28;
	(erf) = vrcp.f32 v16;
	v16 =	vpop (erf)  }
0x159: {  	v18 =	vmul.f32 $1.442695020e+00, v18;
	v13 =	vsub.f32 v25, v13;
	v29 =	vpop (erf);
	(erf) = vpow2.f32 v19  }
0x15a: {  	v23 =	vadd.f32 $1.000000000e+00, v16;
	v25 =	vsub.f32 $1.000000000e+00, v29;
	[tilespmem:s18+$0x15820] =	vst v9;
	(erf) = vrcp.f32 v17;
	v14 =	vpop (erf)  }
0x15b: {  	v30 =	vadd.f32 $1.000000000e+00, v14;
	v13 =	vmul.f32 $1.442695020e+00, v13;
	v31 =	vpop (erf);
	(erf) = vpow2.f32 v18  }
0x15c: {  	v18 =	vmul.f32 v20, v6;
	v32 =	vsub.f32 $1.000000000e+00, v31;
	(erf) = vrcp.f32 v12;
	v12 =	vpop (erf)  }
0x15d: {  	v17 =	vmul.f32 v7, v6;
	v33 =	vadd.f32 $1.000000000e+00, v12;
	v19 =	vpop (erf);
	(erf) = vpow2.f32 v13  }
0x15e: {  	v16 =	vmul.f32 v10, v24;
	[tilespmem:s18+$0x17000] =	vst v18;
	v10 =	vsub.f32 $1.000000000e+00, v19;
	(erf) = vrcp.f32 v15;
	v6 =	vpop (erf)  }
0x15f: {  	v15 =	vmul.f32 v22, v21;
	[tilespmem:s18+$0x17800] =	vst v17;
	v34 =	vadd.f32 $1.000000000e+00, v6;
	v7 =	vpop (erf);
	(erf) = vrcp.f32 v27  }
0x160: {  	v14 =	vmul.f32 v11, v21;
	v6 =	vsub.f32 $1.000000000e+00, v7;
	[tilespmem:s18+$0x16810] =	vst v16;
	(erf) = vrcp.f32 v8;
	v8 =	vpop (erf)  }
0x161: {  	v13 =	vmul.f32 v25, v28;
	[tilespmem:s18+$0x17010] =	vst v15;
	v8 =	vadd.f32 $1.000000000e+00, v8;
	v20 =	vpop (erf);
	(erf) = vrcp.f32 v23  }
.Ltmp1:
0x162: {  	v12 =	vmul.f32 v31, v9;
	v21 =	vsub.f32 $1.000000000e+00, v20;
	[tilespmem:s18+$0x17810] =	vst v14;
	(erf) = vrcp.f32 v30;
	v22 =	vpop (erf);
	(pc) =	sbr.rel @p0 .LBB2_4-.Ltmp1, $4  }
0x163: {  	v11 =	vmul.f32 v32, v9;
	[tilespmem:s18+$0x16820] =	vst v13;
	v30 =	vadd.f32 $1.000000000e+00, v22;
	v23 =	vpop (erf);
	(erf) = vrcp.f32 v33  }
0x164: {  	v10 =	vmul.f32 v10, v4;
	v22 =	vsub.f32 $1.000000000e+00, v23;
	[tilespmem:s18+$0x17020] =	vst v12;
	(erf) = vrcp.f32 v34;
	v25 =	vpop (erf)  }
0x165: {  	v9 =	vmul.f32 v26, v24;
	[tilespmem:s18+$0x17820] =	vst v11;
	v26 =	vadd.f32 $1.000000000e+00, v25;
	v25 =	vpop (erf);
	(erf) = vrcp.f32 v8  }
0x166: {  	s20 =	sadd.s32 $0x100, s20;
	v8 =	vmul.f32 v29, v28;
	v24 =	vsub.f32 $1.000000000e+00, v25;
	[tilespmem:s18+$0x16830] =	vst v10;
	(erf) = vrcp.f32 v30;
	v27 =	vpop (erf)  }
0x167: {  	[tilespmem:s18+$0x16010] =	vst v9;
	v4 =	vmul.f32 v19, v4  }
0x168: {  	v57 =	vmul.f32 v20, v5;
	[tilespmem:s18+$0x16020] =	vst v8  }
0x169: {  	v58 =	vmul.f32 v21, v5;
	[tilespmem:s18+$0x16030] =	vst v4  }
0x16a: {  	v59 =	vmul.f32 v23, v18;
	[tilespmem:s18+$0x19000] =	vst v57  }
0x16b: {  	v61 =	vmul.f32 v22, v18;
	[tilespmem:s18+$0x19800] =	vst v58  }
0x16c: {  	v63 =	vmul.f32 v25, v17;
	[tilespmem:s18+$0x1A000] =	vst v59  }
0x16d: {  	v0 =	vmul.f32 v0, v1;
	[tilespmem:s18+$0x1A800] =	vst v61  }
0x16e: {  	v60 =	vpop (erf);
	v56 =	vmul.f32 v7, v2;
	[tilespmem:s18+$0x1B000] =	vst v63  }
0x16f: {  	v62 =	vpop (erf);
	v28 =	vmul.f32 v24, v17;
	[tilespmem:s18+$0x1B030] =	vst v0  }
0x170: {  	v5 =	vmul.f32 v62, v16;
	[tilespmem:s18+$0x18000] =	vst v56  }
0x171: {  	v58 =	vmul.f32 v6, v2;
	[tilespmem:s18+$0x1B800] =	vst v28  }
0x172: {  	v25 =	vsub.f32 $1.000000000e+00, v62;
	v30 =	vpop (erf);
	v59 =	vmul.f32 v60, v9;
	[tilespmem:s18+$0x19010] =	vst v5  }
0x173: {  	v34 =	vmul.f32 v30, v15;
	[tilespmem:s18+$0x18800] =	vst v58  }
0x174: {  	v31 =	vsub.f32 $1.000000000e+00, v30;
	v33 =	vpop (erf);
	v32 =	vmul.f32 v25, v16;
	[tilespmem:s18+$0x18010] =	vst v59  }
0x175: {  	v17 =	vmul.f32 v33, v14;
	[tilespmem:s18+$0x1A010] =	vst v34  }
0x176: {  	v35 =	vsub.f32 $1.000000000e+00, v33;
	v36 =	vpop (erf);
	v37 =	vmul.f32 v31, v15;
	[tilespmem:s18+$0x19810] =	vst v32  }
0x177: {  	v29 =	vadd.f32 $1.000000000e+00, v27;
	v61 =	vmul.f32 v36, v8;
	[tilespmem:s18+$0x1B010] =	vst v17  }
0x178: {  	(erf) = vrcp.f32 v26;
	v57 =	vsub.f32 $1.000000000e+00, v60;
	v38 =	vpop (erf);
	v5 =	vmul.f32 v35, v14;
	[tilespmem:s18+$0x1A810] =	vst v37  }
0x179: {  	(erf) = vrcp.f32 v29;
	v60 =	vsub.f32 $1.000000000e+00, v36;
	v40 =	vpop (erf);
	v41 =	vmul.f32 v38, v13;
	[tilespmem:s18+$0x18020] =	vst v61  }
0x17a: {  	v39 =	vsub.f32 $1.000000000e+00, v38;
	v14 =	vmul.f32 v40, v12;
	[tilespmem:s18+$0x1B810] =	vst v5  }
0x17b: {  	v1 =	vmul.f32 v60, v8;
	[tilespmem:s18+$0x19020] =	vst v41  }
0x17c: {  	v42 =	vsub.f32 $1.000000000e+00, v40;
	v44 =	vpop (erf);
	v43 =	vmul.f32 v39, v13;
	[tilespmem:s18+$0x1A020] =	vst v14  }
0x17d: {  	v5 =	vmul.f32 v44, v11;
	[tilespmem:s18+$0x18820] =	vst v1  }
0x17e: {  	v45 =	vsub.f32 $1.000000000e+00, v44;
	v46 =	vpop (erf);
	v47 =	vmul.f32 v42, v12;
	[tilespmem:s18+$0x19820] =	vst v43  }
0x17f: {  	v62 =	vsub.f32 $1.000000000e+00, v46;
	v63 =	vmul.f32 v46, v4;
	[tilespmem:s18+$0x1B020] =	vst v5  }
0x180: {  	v50 =	vmul.f32 v45, v11;
	[tilespmem:s18+$0x1A820] =	vst v47  }
0x181: {  	v48 =	vpop (erf);
	v0 =	vmul.f32 v62, v4;
	[tilespmem:s18+$0x18030] =	vst v63  }
0x182: {  	v49 =	vsub.f32 $1.000000000e+00, v48;
	v51 =	vpop (erf);
	v13 =	vmul.f32 v48, v10;
	[tilespmem:s18+$0x1B820] =	vst v50  }
0x183: {  	v52 =	vsub.f32 $1.000000000e+00, v51;
	v54 =	vmul.f32 v51, v3;
	[tilespmem:s18+$0x18830] =	vst v0  }
0x184: {  	v53 =	vmul.f32 v49, v10;
	[tilespmem:s18+$0x19030] =	vst v13  }
0x185: {  	v55 =	vmul.f32 v52, v3;
	[tilespmem:s18+$0x1A030] =	vst v54  }
0x186: {  	v3 =	vmul.f32 v57, v9;
	[tilespmem:s18+$0x19830] =	vst v53  }
0x187: {  	[tilespmem:s18+$0x1A830] =	vst v55  }
0x188: {  	s17 =	sadd.s32 $0x1, s17;
	[tilespmem:s18+$0x18810] =	vst v3  }
0x189: {  	[hbm4b:s6+s8] =	stream.strided.scatter [tilespmem:s14], [sflag:$0x4], $0x7000, s9, s8, $0x38;
	[tilespmem:$0x1C000] =	vst v63  }
0x18a: {  	p0 =	sne.s32 s17, s7;
	_ =	swait.ge [sflag:s15], $0x7000  }
.Ltmp2:
0x18b: {  	[sflag:s15] =	ssyncset.done $0x0;
	(pc) =	sbr.rel @p0 .LBB2_1-.Ltmp2, $4  }
0x18c: {  	[sflag:s15] =	ssyncadd.s32 $0xFFFF9000  }
0x18d: {  	_ =	swait.ge [sflag:s16], $0x7000  }
0x18e: {  	[sflag:s16] =	ssyncset.done $0x0  }
0x18f: {  	[sflag:s16] =	ssyncadd.s32 $0xFFFF9000  }
0x190: {  	_ =	sfence.sel $0x180000  }
0x191: {  	[bflag:$0x0] =	sbarrier.arrive $0xFFFF  }
0x192: {  	p0 =	sne.s32 s1, $0x0;
	_ =	strace $0x90000047  }
0x193: {  	s0 =	sadd.s32 @!p0 $0x100000, s0;
	[bflag:$0x2] =	sbarrier.arrive $0xFFFF  }
0x194: {  	[sflag:s0] =	ssyncadd.tile.s32 @!p0 $0x1;
	_ =	shalt  }
.Lfunc_end2:
_tile_overlayer_lowered:
.L_overlay_start_2:
0x195: {  	(tag) =	ssettag $0x2  }
0x196: {  	s0 =	rddreg [dreg:$0x0];
	s2 =	stileid.u32  }
0x197: {  	s1 =	rddreg [dreg:$0x1];
	p0 =	sne.s32 s2, $0x0  }
0x198: {  	s3 =	rddreg [dreg:$0x2];
	[bflag:$0x3] =	sbarrier.arrive $0xFFFF;
	s2 =	simm.s32 @!p0 $0x1C05  }
0x199: {  	[timem:s3], [sflag:s2] =	dma.local @!p0 [hbm:s0], s1  }
0x19a: {  	s0 =	simm.s32 @!p0 $0x5  }
0x19b: {  	_ =	swait.ge @!p0 [sflag:s0], s1  }
0x19c: {  	s1 =	ssub.s32 @!p0 $0x0, s1;
	[sflag:s0] =	ssyncset.done @!p0 $0x0  }
0x19d: {  	[sflag:s0] =	ssyncadd.s32 @!p0 s1  }
0x19e: {  	[bflag:$0x3] =	sbarrier.arrive $0xFFFF  }
0x19f: {  	_ =	shalt  }

</sc_bundles>
